<compile_context>
chip_gen: v7x
topology: tpu7x:2x2x1
jax: 0.10.2.dev20260603
libtpu: 0.0.44.dev20260713+nightly
codegen_flags: <defaults>
</compile_context>

<pallas_src>
import functools

import jax
import jax.numpy as jnp
from jax import lax
from jax.experimental import pallas as pl
from jax.experimental.pallas import tpu as pltpu
from jax.experimental.pallas import tpu_sc as plsc

_B = 16384
_L = 16
_NC = 2
_NS = 16
_NW = _NC * _NS
_BPW = _B // _NW
_CHUNK = 128
_NCH = _BPW // _CHUNK


def _irt_body(stu_hbm, exer_hbm, theta_hbm, a_hbm, b_hbm, out_hbm,
              sidx, eidx, th, av, bv, ov, sem_g, sem_idx, sem_out):
    wid = lax.axis_index("s") * _NC + lax.axis_index("c")
    stu_stage = pltpu.async_copy(stu_hbm.at[wid], sidx, sem_idx)
    exer_stage = pltpu.async_copy(exer_hbm.at[wid], eidx, sem_idx)
    stu_stage.wait()
    gathers = []
    for j in range(_NCH):
        gathers.append(pltpu.async_copy(theta_hbm.at[sidx.at[j]], th.at[j], sem_g))
    exer_stage.wait()
    for j in range(_NCH):
        gathers.append(pltpu.async_copy(a_hbm.at[eidx.at[j]], av.at[j], sem_g))
        gathers.append(pltpu.async_copy(b_hbm.at[eidx.at[j]], bv.at[j], sem_g))
    for g in gathers:
        g.wait()
    for j in range(_NCH):
        for i in range(_CHUNK // _L):
            sl = pl.ds(i * _L, _L)
            t = th[j, sl]
            a_raw = av[j, sl]
            b_val = bv[j, sl]
            z = 3.4 * (t - b_val) / (1.0 + jnp.exp(-a_raw))
            ov[j, sl] = 1.0 / (1.0 + jnp.exp(-z))
    pltpu.async_copy(ov, out_hbm.at[wid], sem_out).wait()


@jax.jit
def kernel(stu_id, exer_id, theta_w, a_w, b_w):
    mesh = plsc.VectorSubcoreMesh(core_axis_name="c", subcore_axis_name="s")
    run = functools.partial(
        pl.kernel,
        mesh=mesh,
        out_type=jax.ShapeDtypeStruct((_NW, _NCH, _CHUNK), jnp.float32),
        scratch_types=[
            pltpu.VMEM((_NCH, _CHUNK), jnp.int32),
            pltpu.VMEM((_NCH, _CHUNK), jnp.int32),
            pltpu.VMEM((_NCH, _CHUNK), jnp.float32),
            pltpu.VMEM((_NCH, _CHUNK), jnp.float32),
            pltpu.VMEM((_NCH, _CHUNK), jnp.float32),
            pltpu.VMEM((_NCH, _CHUNK), jnp.float32),
            pltpu.SemaphoreType.DMA,
            pltpu.SemaphoreType.DMA,
            pltpu.SemaphoreType.DMA,
        ],
    )(_irt_body)
    out = run(stu_id.astype(jnp.int32).reshape(_NW, _NCH, _CHUNK),
              exer_id.astype(jnp.int32).reshape(_NW, _NCH, _CHUNK),
              theta_w.reshape(-1), a_w.reshape(-1), b_w.reshape(-1))
    return out.reshape(-1)

# --- scband reference (transcript-rebuilt; emitter-appended) ---
"""Pipeline reference for scband-irtnet-12257836662786 (READ-ONLY COPY).

The authoritative reference and input builder live on the scoring server;
editing this copy changes nothing except your own understanding.
"""

import jax, jax.numpy as jnp
import numpy as np

STUDENT_N = 1000000
EXER_N = 100000
BATCH = 16384

def setup_inputs(seed: int = 0) -> dict:
    key = jax.random.key(seed)
    k1, k2, k3, k4, k5 = jax.random.split(key, 5)
    stu_id = jax.random.randint(k1, (BATCH,), 0, STUDENT_N, dtype=jnp.int64) if jax.config.jax_enable_x64 else jax.random.randint(k1, (BATCH,), 0, STUDENT_N, dtype=jnp.int32)
    exer_id = jax.random.randint(k2, (BATCH,), 0, EXER_N, dtype=jnp.int32)
    # xavier_normal for Embedding(num, 1): std = sqrt(2/(num+1))
    theta_w = jax.random.normal(k3, (STUDENT_N, 1), dtype=jnp.float32) * np.sqrt(2.0 / (STUDENT_N + 1))
    a_w = jax.random.normal(k4, (EXER_N, 1), dtype=jnp.float32) * np.sqrt(2.0 / (EXER_N + 1))
    b_w = jax.random.normal(k5, (EXER_N, 1), dtype=jnp.float32) * np.sqrt(2.0 / (EXER_N + 1))
    return {"stu_id": stu_id, "exer_id": exer_id, "theta_w": theta_w, "a_w": a_w, "b_w": b_w}

def reference(stu_id, exer_id, theta_w, a_w, b_w):
    theta = jnp.take(theta_w, stu_id, axis=0)           # [B, 1] gather
    a = jax.nn.sigmoid(jnp.take(a_w, exer_id, axis=0)) * 2.0  # [B, 1]
    b = jnp.take(b_w, exer_id, axis=0)                  # [B, 1]
    pred = jax.nn.sigmoid(1.7 * a * (theta - b))        # [B, 1]
    return pred.reshape(-1)

if __name__ == "__main__":
    import jax
    _d = setup_inputs()
    print(jax.jit(kernel)(*tuple(_d.values())))

</pallas_src>

<mosaic_0001>
#map = affine_map<(d0, d1) -> (0, 0, 0)>
#map1 = affine_map<(d0, d1) -> (0)>
module attributes {stable_mosaic.version = 14 : i64} {
  func.func @_irt_body(%arg0: i32, %arg1: i32, %arg2: memref<32x4x128xi32, #tpu.memory_space<hbm>>, %arg3: memref<32x4x128xi32, #tpu.memory_space<hbm>>, %arg4: memref<1000000xf32, #tpu.memory_space<hbm>>, %arg5: memref<100000xf32, #tpu.memory_space<hbm>>, %arg6: memref<100000xf32, #tpu.memory_space<hbm>>, %arg7: memref<32x4x128xf32, #tpu.memory_space<hbm>>, %arg8: memref<4x128xi32, #tpu.memory_space<vmem>>, %arg9: memref<4x128xi32, #tpu.memory_space<vmem>>, %arg10: memref<4x128xf32, #tpu.memory_space<vmem>>, %arg11: memref<4x128xf32, #tpu.memory_space<vmem>>, %arg12: memref<4x128xf32, #tpu.memory_space<vmem>>, %arg13: memref<4x128xf32, #tpu.memory_space<vmem>>, %arg14: memref<!tpu.dma_semaphore, #tpu.memory_space<semaphore_mem>>, %arg15: memref<!tpu.dma_semaphore, #tpu.memory_space<semaphore_mem>>, %arg16: memref<!tpu.dma_semaphore, #tpu.memory_space<semaphore_mem>>) attributes {dimension_semantics = [#tpu.dimension_semantics<core_parallel>, #tpu.dimension_semantics<subcore_parallel>], iteration_bounds = array<i64: 2, 16>, scalar_prefetch = 0 : i64, scratch_operands = 9 : i64, tpu.core_type = #tpu.core_type<sc_vector_subcore>, window_params = [{transform_indices = #map}, {transform_indices = #map}, {transform_indices = #map1}, {transform_indices = #map1}, {transform_indices = #map1}, {transform_indices = #map}]} {
    %mul3A = arith.constant 2 : i32
    %mul3A_0 = arith.muli %arg1, %mul3A : i32
    %add3A = arith.addi %mul3A_0, %arg0 : i32
    %dma_start3A = arith.constant 0 : i32
    %dma_start3A_1 = arith.constant 0 : i32
    %dma_start3A_2 = tpu.memref_slice %arg2[%add3A, %dma_start3A, %dma_start3A_1] : memref<32x4x128xi32, #tpu.memory_space<hbm>> -> memref<1x4x128xi32, #tpu.memory_space<hbm>>
    %dma_start3A_3 = tpu.memref_squeeze %dma_start3A_2 : memref<1x4x128xi32, #tpu.memory_space<hbm>> -> memref<4x128xi32, #tpu.memory_space<hbm>>
    %dma_start3A_4 = arith.constant 0 : i32
    %dma_start3A_5 = arith.constant 0 : i32
    %dma_start3A_6 = tpu.memref_slice %arg2[%add3A, %dma_start3A_4, %dma_start3A_5] : memref<32x4x128xi32, #tpu.memory_space<hbm>> -> memref<1x4x128xi32, #tpu.memory_space<hbm>>
    %dma_start3A_7 = tpu.memref_squeeze %dma_start3A_6 : memref<1x4x128xi32, #tpu.memory_space<hbm>> -> memref<4x128xi32, #tpu.memory_space<hbm>>
    tpu.enqueue_dma source(%dma_start3A_7 : memref<4x128xi32, #tpu.memory_space<hbm>>) target(%arg8 : memref<4x128xi32, #tpu.memory_space<vmem>>) target_semaphore(%arg15 : memref<!tpu.dma_semaphore, #tpu.memory_space<semaphore_mem>>)
    %dma_start3A_8 = arith.constant 0 : i32
    %dma_start3A_9 = arith.constant 0 : i32
    %dma_start3A_10 = tpu.memref_slice %arg3[%add3A, %dma_start3A_8, %dma_start3A_9] : memref<32x4x128xi32, #tpu.memory_space<hbm>> -> memref<1x4x128xi32, #tpu.memory_space<hbm>>
    %dma_start3A_11 = tpu.memref_squeeze %dma_start3A_10 : memref<1x4x128xi32, #tpu.memory_space<hbm>> -> memref<4x128xi32, #tpu.memory_space<hbm>>
    %dma_start3A_12 = arith.constant 0 : i32
    %dma_start3A_13 = arith.constant 0 : i32
    %dma_start3A_14 = tpu.memref_slice %arg3[%add3A, %dma_start3A_12, %dma_start3A_13] : memref<32x4x128xi32, #tpu.memory_space<hbm>> -> memref<1x4x128xi32, #tpu.memory_space<hbm>>
    %dma_start3A_15 = tpu.memref_squeeze %dma_start3A_14 : memref<1x4x128xi32, #tpu.memory_space<hbm>> -> memref<4x128xi32, #tpu.memory_space<hbm>>
    tpu.enqueue_dma source(%dma_start3A_15 : memref<4x128xi32, #tpu.memory_space<hbm>>) target(%arg9 : memref<4x128xi32, #tpu.memory_space<vmem>>) target_semaphore(%arg15 : memref<!tpu.dma_semaphore, #tpu.memory_space<semaphore_mem>>)
    %dma_wait3A = arith.constant 0 : i32
    %dma_wait3A_16 = arith.constant 0 : i32
    %dma_wait3A_17 = tpu.memref_slice %arg2[%add3A, %dma_wait3A, %dma_wait3A_16] : memref<32x4x128xi32, #tpu.memory_space<hbm>> -> memref<1x4x128xi32, #tpu.memory_space<hbm>>
    %dma_wait3A_18 = tpu.memref_squeeze %dma_wait3A_17 : memref<1x4x128xi32, #tpu.memory_space<hbm>> -> memref<4x128xi32, #tpu.memory_space<hbm>>
    %dma_wait3A_19 = arith.constant 0 : i32
    %dma_wait3A_20 = arith.constant 0 : i32
    %dma_wait3A_21 = tpu.memref_slice %arg2[%add3A, %dma_wait3A_19, %dma_wait3A_20] : memref<32x4x128xi32, #tpu.memory_space<hbm>> -> memref<1x4x128xi32, #tpu.memory_space<hbm>>
    %dma_wait3A_22 = tpu.memref_squeeze %dma_wait3A_21 : memref<1x4x128xi32, #tpu.memory_space<hbm>> -> memref<4x128xi32, #tpu.memory_space<hbm>>
    tpu.wait_dma2 semaphore(%arg15 : memref<!tpu.dma_semaphore, #tpu.memory_space<semaphore_mem>>) src(%dma_wait3A_22 : memref<4x128xi32, #tpu.memory_space<hbm>>) dst(%arg8 : memref<4x128xi32, #tpu.memory_space<vmem>>)
    %dma_start3A_23 = arith.constant 0 : i32
    %dma_start3A_24 = arith.constant 0 : i32
    %dma_start3A_25 = arith.constant 0 : i32
    %dma_start3A_26 = tpu.memref_slice %arg10[%dma_start3A_24, %dma_start3A_25] : memref<4x128xf32, #tpu.memory_space<vmem>> -> memref<1x128xf32, #tpu.memory_space<vmem>>
    %dma_start3A_27 = tpu.memref_squeeze %dma_start3A_26 : memref<1x128xf32, #tpu.memory_space<vmem>> -> memref<128xf32, #tpu.memory_space<vmem>>
    %dma_start3A_28 = arith.constant 0 : i32
    %dma_start3A_29 = tpu.memref_slice %arg8[%dma_start3A_23, %dma_start3A_28] : memref<4x128xi32, #tpu.memory_space<vmem>> -> memref<1x128xi32, #tpu.memory_space<vmem>>
    %dma_start3A_30 = tpu.memref_squeeze %dma_start3A_29 : memref<1x128xi32, #tpu.memory_space<vmem>> -> memref<128xi32, #tpu.memory_space<vmem>>
    %dma_start3A_31 = arith.constant 0 : i32
    %dma_start3A_32 = tpu.memref_slice %arg4[%dma_start3A_31] : memref<1000000xf32, #tpu.memory_space<hbm>> -> memref<1000000xf32, #tpu.memory_space<hbm>>
    tpu.enqueue_indirect_dma source(%dma_start3A_32 : memref<1000000xf32, #tpu.memory_space<hbm>>) target(%dma_start3A_27 : memref<128xf32, #tpu.memory_space<vmem>>) offsets(%dma_start3A_30 : memref<128xi32, #tpu.memory_space<vmem>>) semaphore(%arg14 : memref<!tpu.dma_semaphore, #tpu.memory_space<semaphore_mem>>)
    %dma_start3A_33 = arith.constant 1 : i32
    %dma_start3A_34 = arith.constant 1 : i32
    %dma_start3A_35 = arith.constant 0 : i32
    %dma_start3A_36 = tpu.memref_slice %arg10[%dma_start3A_34, %dma_start3A_35] : memref<4x128xf32, #tpu.memory_space<vmem>> -> memref<1x128xf32, #tpu.memory_space<vmem>>
    %dma_start3A_37 = tpu.memref_squeeze %dma_start3A_36 : memref<1x128xf32, #tpu.memory_space<vmem>> -> memref<128xf32, #tpu.memory_space<vmem>>
    %dma_start3A_38 = arith.constant 0 : i32
    %dma_start3A_39 = tpu.memref_slice %arg8[%dma_start3A_33, %dma_start3A_38] : memref<4x128xi32, #tpu.memory_space<vmem>> -> memref<1x128xi32, #tpu.memory_space<vmem>>
    %dma_start3A_40 = tpu.memref_squeeze %dma_start3A_39 : memref<1x128xi32, #tpu.memory_space<vmem>> -> memref<128xi32, #tpu.memory_space<vmem>>
    %dma_start3A_41 = arith.constant 0 : i32
    %dma_start3A_42 = tpu.memref_slice %arg4[%dma_start3A_41] : memref<1000000xf32, #tpu.memory_space<hbm>> -> memref<1000000xf32, #tpu.memory_space<hbm>>
    tpu.enqueue_indirect_dma source(%dma_start3A_42 : memref<1000000xf32, #tpu.memory_space<hbm>>) target(%dma_start3A_37 : memref<128xf32, #tpu.memory_space<vmem>>) offsets(%dma_start3A_40 : memref<128xi32, #tpu.memory_space<vmem>>) semaphore(%arg14 : memref<!tpu.dma_semaphore, #tpu.memory_space<semaphore_mem>>)
    %dma_start3A_43 = arith.constant 2 : i32
    %dma_start3A_44 = arith.constant 2 : i32
    %dma_start3A_45 = arith.constant 0 : i32
    %dma_start3A_46 = tpu.memref_slice %arg10[%dma_start3A_44, %dma_start3A_45] : memref<4x128xf32, #tpu.memory_space<vmem>> -> memref<1x128xf32, #tpu.memory_space<vmem>>
    %dma_start3A_47 = tpu.memref_squeeze %dma_start3A_46 : memref<1x128xf32, #tpu.memory_space<vmem>> -> memref<128xf32, #tpu.memory_space<vmem>>
    %dma_start3A_48 = arith.constant 0 : i32
    %dma_start3A_49 = tpu.memref_slice %arg8[%dma_start3A_43, %dma_start3A_48] : memref<4x128xi32, #tpu.memory_space<vmem>> -> memref<1x128xi32, #tpu.memory_space<vmem>>
    %dma_start3A_50 = tpu.memref_squeeze %dma_start3A_49 : memref<1x128xi32, #tpu.memory_space<vmem>> -> memref<128xi32, #tpu.memory_space<vmem>>
    %dma_start3A_51 = arith.constant 0 : i32
    %dma_start3A_52 = tpu.memref_slice %arg4[%dma_start3A_51] : memref<1000000xf32, #tpu.memory_space<hbm>> -> memref<1000000xf32, #tpu.memory_space<hbm>>
    tpu.enqueue_indirect_dma source(%dma_start3A_52 : memref<1000000xf32, #tpu.memory_space<hbm>>) target(%dma_start3A_47 : memref<128xf32, #tpu.memory_space<vmem>>) offsets(%dma_start3A_50 : memref<128xi32, #tpu.memory_space<vmem>>) semaphore(%arg14 : memref<!tpu.dma_semaphore, #tpu.memory_space<semaphore_mem>>)
    %dma_start3A_53 = arith.constant 3 : i32
    %dma_start3A_54 = arith.constant 3 : i32
    %dma_start3A_55 = arith.constant 0 : i32
    %dma_start3A_56 = tpu.memref_slice %arg10[%dma_start3A_54, %dma_start3A_55] : memref<4x128xf32, #tpu.memory_space<vmem>> -> memref<1x128xf32, #tpu.memory_space<vmem>>
    %dma_start3A_57 = tpu.memref_squeeze %dma_start3A_56 : memref<1x128xf32, #tpu.memory_space<vmem>> -> memref<128xf32, #tpu.memory_space<vmem>>
    %dma_start3A_58 = arith.constant 0 : i32
    %dma_start3A_59 = tpu.memref_slice %arg8[%dma_start3A_53, %dma_start3A_58] : memref<4x128xi32, #tpu.memory_space<vmem>> -> memref<1x128xi32, #tpu.memory_space<vmem>>
    %dma_start3A_60 = tpu.memref_squeeze %dma_start3A_59 : memref<1x128xi32, #tpu.memory_space<vmem>> -> memref<128xi32, #tpu.memory_space<vmem>>
    %dma_start3A_61 = arith.constant 0 : i32
    %dma_start3A_62 = tpu.memref_slice %arg4[%dma_start3A_61] : memref<1000000xf32, #tpu.memory_space<hbm>> -> memref<1000000xf32, #tpu.memory_space<hbm>>
    tpu.enqueue_indirect_dma source(%dma_start3A_62 : memref<1000000xf32, #tpu.memory_space<hbm>>) target(%dma_start3A_57 : memref<128xf32, #tpu.memory_space<vmem>>) offsets(%dma_start3A_60 : memref<128xi32, #tpu.memory_space<vmem>>) semaphore(%arg14 : memref<!tpu.dma_semaphore, #tpu.memory_space<semaphore_mem>>)
    %dma_wait3A_63 = arith.constant 0 : i32
    %dma_wait3A_64 = arith.constant 0 : i32
    %dma_wait3A_65 = tpu.memref_slice %arg3[%add3A, %dma_wait3A_63, %dma_wait3A_64] : memref<32x4x128xi32, #tpu.memory_space<hbm>> -> memref<1x4x128xi32, #tpu.memory_space<hbm>>
    %dma_wait3A_66 = tpu.memref_squeeze %dma_wait3A_65 : memref<1x4x128xi32, #tpu.memory_space<hbm>> -> memref<4x128xi32, #tpu.memory_space<hbm>>
    %dma_wait3A_67 = arith.constant 0 : i32
    %dma_wait3A_68 = arith.constant 0 : i32
    %dma_wait3A_69 = tpu.memref_slice %arg3[%add3A, %dma_wait3A_67, %dma_wait3A_68] : memref<32x4x128xi32, #tpu.memory_space<hbm>> -> memref<1x4x128xi32, #tpu.memory_space<hbm>>
    %dma_wait3A_70 = tpu.memref_squeeze %dma_wait3A_69 : memref<1x4x128xi32, #tpu.memory_space<hbm>> -> memref<4x128xi32, #tpu.memory_space<hbm>>
    tpu.wait_dma2 semaphore(%arg15 : memref<!tpu.dma_semaphore, #tpu.memory_space<semaphore_mem>>) src(%dma_wait3A_70 : memref<4x128xi32, #tpu.memory_space<hbm>>) dst(%arg9 : memref<4x128xi32, #tpu.memory_space<vmem>>)
    %dma_start3A_71 = arith.constant 0 : i32
    %dma_start3A_72 = arith.constant 0 : i32
    %dma_start3A_73 = arith.constant 0 : i32
    %dma_start3A_74 = tpu.memref_slice %arg11[%dma_start3A_72, %dma_start3A_73] : memref<4x128xf32, #tpu.memory_space<vmem>> -> memref<1x128xf32, #tpu.memory_space<vmem>>
    %dma_start3A_75 = tpu.memref_squeeze %dma_start3A_74 : memref<1x128xf32, #tpu.memory_space<vmem>> -> memref<128xf32, #tpu.memory_space<vmem>>
    %dma_start3A_76 = arith.constant 0 : i32
    %dma_start3A_77 = tpu.memref_slice %arg9[%dma_start3A_71, %dma_start3A_76] : memref<4x128xi32, #tpu.memory_space<vmem>> -> memref<1x128xi32, #tpu.memory_space<vmem>>
    %dma_start3A_78 = tpu.memref_squeeze %dma_start3A_77 : memref<1x128xi32, #tpu.memory_space<vmem>> -> memref<128xi32, #tpu.memory_space<vmem>>
    %dma_start3A_79 = arith.constant 0 : i32
    %dma_start3A_80 = tpu.memref_slice %arg5[%dma_start3A_79] : memref<100000xf32, #tpu.memory_space<hbm>> -> memref<100000xf32, #tpu.memory_space<hbm>>
    tpu.enqueue_indirect_dma source(%dma_start3A_80 : memref<100000xf32, #tpu.memory_space<hbm>>) target(%dma_start3A_75 : memref<128xf32, #tpu.memory_space<vmem>>) offsets(%dma_start3A_78 : memref<128xi32, #tpu.memory_space<vmem>>) semaphore(%arg14 : memref<!tpu.dma_semaphore, #tpu.memory_space<semaphore_mem>>)
    %dma_start3A_81 = arith.constant 0 : i32
    %dma_start3A_82 = arith.constant 0 : i32
    %dma_start3A_83 = arith.constant 0 : i32
    %dma_start3A_84 = tpu.memref_slice %arg12[%dma_start3A_82, %dma_start3A_83] : memref<4x128xf32, #tpu.memory_space<vmem>> -> memref<1x128xf32, #tpu.memory_space<vmem>>
    %dma_start3A_85 = tpu.memref_squeeze %dma_start3A_84 : memref<1x128xf32, #tpu.memory_space<vmem>> -> memref<128xf32, #tpu.memory_space<vmem>>
    %dma_start3A_86 = arith.constant 0 : i32
    %dma_start3A_87 = tpu.memref_slice %arg9[%dma_start3A_81, %dma_start3A_86] : memref<4x128xi32, #tpu.memory_space<vmem>> -> memref<1x128xi32, #tpu.memory_space<vmem>>
    %dma_start3A_88 = tpu.memref_squeeze %dma_start3A_87 : memref<1x128xi32, #tpu.memory_space<vmem>> -> memref<128xi32, #tpu.memory_space<vmem>>
    %dma_start3A_89 = arith.constant 0 : i32
    %dma_start3A_90 = tpu.memref_slice %arg6[%dma_start3A_89] : memref<100000xf32, #tpu.memory_space<hbm>> -> memref<100000xf32, #tpu.memory_space<hbm>>
    tpu.enqueue_indirect_dma source(%dma_start3A_90 : memref<100000xf32, #tpu.memory_space<hbm>>) target(%dma_start3A_85 : memref<128xf32, #tpu.memory_space<vmem>>) offsets(%dma_start3A_88 : memref<128xi32, #tpu.memory_space<vmem>>) semaphore(%arg14 : memref<!tpu.dma_semaphore, #tpu.memory_space<semaphore_mem>>)
    %dma_start3A_91 = arith.constant 1 : i32
    %dma_start3A_92 = arith.constant 1 : i32
    %dma_start3A_93 = arith.constant 0 : i32
    %dma_start3A_94 = tpu.memref_slice %arg11[%dma_start3A_92, %dma_start3A_93] : memref<4x128xf32, #tpu.memory_space<vmem>> -> memref<1x128xf32, #tpu.memory_space<vmem>>
    %dma_start3A_95 = tpu.memref_squeeze %dma_start3A_94 : memref<1x128xf32, #tpu.memory_space<vmem>> -> memref<128xf32, #tpu.memory_space<vmem>>
    %dma_start3A_96 = arith.constant 0 : i32
    %dma_start3A_97 = tpu.memref_slice %arg9[%dma_start3A_91, %dma_start3A_96] : memref<4x128xi32, #tpu.memory_space<vmem>> -> memref<1x128xi32, #tpu.memory_space<vmem>>
    %dma_start3A_98 = tpu.memref_squeeze %dma_start3A_97 : memref<1x128xi32, #tpu.memory_space<vmem>> -> memref<128xi32, #tpu.memory_space<vmem>>
    %dma_start3A_99 = arith.constant 0 : i32
    %dma_start3A_100 = tpu.memref_slice %arg5[%dma_start3A_99] : memref<100000xf32, #tpu.memory_space<hbm>> -> memref<100000xf32, #tpu.memory_space<hbm>>
    tpu.enqueue_indirect_dma source(%dma_start3A_100 : memref<100000xf32, #tpu.memory_space<hbm>>) target(%dma_start3A_95 : memref<128xf32, #tpu.memory_space<vmem>>) offsets(%dma_start3A_98 : memref<128xi32, #tpu.memory_space<vmem>>) semaphore(%arg14 : memref<!tpu.dma_semaphore, #tpu.memory_space<semaphore_mem>>)
    %dma_start3A_101 = arith.constant 1 : i32
    %dma_start3A_102 = arith.constant 1 : i32
    %dma_start3A_103 = arith.constant 0 : i32
    %dma_start3A_104 = tpu.memref_slice %arg12[%dma_start3A_102, %dma_start3A_103] : memref<4x128xf32, #tpu.memory_space<vmem>> -> memref<1x128xf32, #tpu.memory_space<vmem>>
    %dma_start3A_105 = tpu.memref_squeeze %dma_start3A_104 : memref<1x128xf32, #tpu.memory_space<vmem>> -> memref<128xf32, #tpu.memory_space<vmem>>
    %dma_start3A_106 = arith.constant 0 : i32
    %dma_start3A_107 = tpu.memref_slice %arg9[%dma_start3A_101, %dma_start3A_106] : memref<4x128xi32, #tpu.memory_space<vmem>> -> memref<1x128xi32, #tpu.memory_space<vmem>>
    %dma_start3A_108 = tpu.memref_squeeze %dma_start3A_107 : memref<1x128xi32, #tpu.memory_space<vmem>> -> memref<128xi32, #tpu.memory_space<vmem>>
    %dma_start3A_109 = arith.constant 0 : i32
    %dma_start3A_110 = tpu.memref_slice %arg6[%dma_start3A_109] : memref<100000xf32, #tpu.memory_space<hbm>> -> memref<100000xf32, #tpu.memory_space<hbm>>
    tpu.enqueue_indirect_dma source(%dma_start3A_110 : memref<100000xf32, #tpu.memory_space<hbm>>) target(%dma_start3A_105 : memref<128xf32, #tpu.memory_space<vmem>>) offsets(%dma_start3A_108 : memref<128xi32, #tpu.memory_space<vmem>>) semaphore(%arg14 : memref<!tpu.dma_semaphore, #tpu.memory_space<semaphore_mem>>)
    %dma_start3A_111 = arith.constant 2 : i32
    %dma_start3A_112 = arith.constant 2 : i32
    %dma_start3A_113 = arith.constant 0 : i32
    %dma_start3A_114 = tpu.memref_slice %arg11[%dma_start3A_112, %dma_start3A_113] : memref<4x128xf32, #tpu.memory_space<vmem>> -> memref<1x128xf32, #tpu.memory_space<vmem>>
    %dma_start3A_115 = tpu.memref_squeeze %dma_start3A_114 : memref<1x128xf32, #tpu.memory_space<vmem>> -> memref<128xf32, #tpu.memory_space<vmem>>
    %dma_start3A_116 = arith.constant 0 : i32
    %dma_start3A_117 = tpu.memref_slice %arg9[%dma_start3A_111, %dma_start3A_116] : memref<4x128xi32, #tpu.memory_space<vmem>> -> memref<1x128xi32, #tpu.memory_space<vmem>>
    %dma_start3A_118 = tpu.memref_squeeze %dma_start3A_117 : memref<1x128xi32, #tpu.memory_space<vmem>> -> memref<128xi32, #tpu.memory_space<vmem>>
    %dma_start3A_119 = arith.constant 0 : i32
    %dma_start3A_120 = tpu.memref_slice %arg5[%dma_start3A_119] : memref<100000xf32, #tpu.memory_space<hbm>> -> memref<100000xf32, #tpu.memory_space<hbm>>
    tpu.enqueue_indirect_dma source(%dma_start3A_120 : memref<100000xf32, #tpu.memory_space<hbm>>) target(%dma_start3A_115 : memref<128xf32, #tpu.memory_space<vmem>>) offsets(%dma_start3A_118 : memref<128xi32, #tpu.memory_space<vmem>>) semaphore(%arg14 : memref<!tpu.dma_semaphore, #tpu.memory_space<semaphore_mem>>)
    %dma_start3A_121 = arith.constant 2 : i32
    %dma_start3A_122 = arith.constant 2 : i32
    %dma_start3A_123 = arith.constant 0 : i32
    %dma_start3A_124 = tpu.memref_slice %arg12[%dma_start3A_122, %dma_start3A_123] : memref<4x128xf32, #tpu.memory_space<vmem>> -> memref<1x128xf32, #tpu.memory_space<vmem>>
    %dma_start3A_125 = tpu.memref_squeeze %dma_start3A_124 : memref<1x128xf32, #tpu.memory_space<vmem>> -> memref<128xf32, #tpu.memory_space<vmem>>
    %dma_start3A_126 = arith.constant 0 : i32
    %dma_start3A_127 = tpu.memref_slice %arg9[%dma_start3A_121, %dma_start3A_126] : memref<4x128xi32, #tpu.memory_space<vmem>> -> memref<1x128xi32, #tpu.memory_space<vmem>>
    %dma_start3A_128 = tpu.memref_squeeze %dma_start3A_127 : memref<1x128xi32, #tpu.memory_space<vmem>> -> memref<128xi32, #tpu.memory_space<vmem>>
    %dma_start3A_129 = arith.constant 0 : i32
    %dma_start3A_130 = tpu.memref_slice %arg6[%dma_start3A_129] : memref<100000xf32, #tpu.memory_space<hbm>> -> memref<100000xf32, #tpu.memory_space<hbm>>
    tpu.enqueue_indirect_dma source(%dma_start3A_130 : memref<100000xf32, #tpu.memory_space<hbm>>) target(%dma_start3A_125 : memref<128xf32, #tpu.memory_space<vmem>>) offsets(%dma_start3A_128 : memref<128xi32, #tpu.memory_space<vmem>>) semaphore(%arg14 : memref<!tpu.dma_semaphore, #tpu.memory_space<semaphore_mem>>)
    %dma_start3A_131 = arith.constant 3 : i32
    %dma_start3A_132 = arith.constant 3 : i32
    %dma_start3A_133 = arith.constant 0 : i32
    %dma_start3A_134 = tpu.memref_slice %arg11[%dma_start3A_132, %dma_start3A_133] : memref<4x128xf32, #tpu.memory_space<vmem>> -> memref<1x128xf32, #tpu.memory_space<vmem>>
    %dma_start3A_135 = tpu.memref_squeeze %dma_start3A_134 : memref<1x128xf32, #tpu.memory_space<vmem>> -> memref<128xf32, #tpu.memory_space<vmem>>
    %dma_start3A_136 = arith.constant 0 : i32
    %dma_start3A_137 = tpu.memref_slice %arg9[%dma_start3A_131, %dma_start3A_136] : memref<4x128xi32, #tpu.memory_space<vmem>> -> memref<1x128xi32, #tpu.memory_space<vmem>>
    %dma_start3A_138 = tpu.memref_squeeze %dma_start3A_137 : memref<1x128xi32, #tpu.memory_space<vmem>> -> memref<128xi32, #tpu.memory_space<vmem>>
    %dma_start3A_139 = arith.constant 0 : i32
    %dma_start3A_140 = tpu.memref_slice %arg5[%dma_start3A_139] : memref<100000xf32, #tpu.memory_space<hbm>> -> memref<100000xf32, #tpu.memory_space<hbm>>
    tpu.enqueue_indirect_dma source(%dma_start3A_140 : memref<100000xf32, #tpu.memory_space<hbm>>) target(%dma_start3A_135 : memref<128xf32, #tpu.memory_space<vmem>>) offsets(%dma_start3A_138 : memref<128xi32, #tpu.memory_space<vmem>>) semaphore(%arg14 : memref<!tpu.dma_semaphore, #tpu.memory_space<semaphore_mem>>)
    %dma_start3A_141 = arith.constant 3 : i32
    %dma_start3A_142 = arith.constant 3 : i32
    %dma_start3A_143 = arith.constant 0 : i32
    %dma_start3A_144 = tpu.memref_slice %arg12[%dma_start3A_142, %dma_start3A_143] : memref<4x128xf32, #tpu.memory_space<vmem>> -> memref<1x128xf32, #tpu.memory_space<vmem>>
    %dma_start3A_145 = tpu.memref_squeeze %dma_start3A_144 : memref<1x128xf32, #tpu.memory_space<vmem>> -> memref<128xf32, #tpu.memory_space<vmem>>
    %dma_start3A_146 = arith.constant 0 : i32
    %dma_start3A_147 = tpu.memref_slice %arg9[%dma_start3A_141, %dma_start3A_146] : memref<4x128xi32, #tpu.memory_space<vmem>> -> memref<1x128xi32, #tpu.memory_space<vmem>>
    %dma_start3A_148 = tpu.memref_squeeze %dma_start3A_147 : memref<1x128xi32, #tpu.memory_space<vmem>> -> memref<128xi32, #tpu.memory_space<vmem>>
    %dma_start3A_149 = arith.constant 0 : i32
    %dma_start3A_150 = tpu.memref_slice %arg6[%dma_start3A_149] : memref<100000xf32, #tpu.memory_space<hbm>> -> memref<100000xf32, #tpu.memory_space<hbm>>
    tpu.enqueue_indirect_dma source(%dma_start3A_150 : memref<100000xf32, #tpu.memory_space<hbm>>) target(%dma_start3A_145 : memref<128xf32, #tpu.memory_space<vmem>>) offsets(%dma_start3A_148 : memref<128xi32, #tpu.memory_space<vmem>>) semaphore(%arg14 : memref<!tpu.dma_semaphore, #tpu.memory_space<semaphore_mem>>)
    %dma_wait3A_151 = arith.constant 0 : i32
    %dma_wait3A_152 = arith.constant 0 : i32
    %dma_wait3A_153 = arith.constant 0 : i32
    %dma_wait3A_154 = tpu.memref_slice %arg10[%dma_wait3A_152, %dma_wait3A_153] : memref<4x128xf32, #tpu.memory_space<vmem>> -> memref<1x128xf32, #tpu.memory_space<vmem>>
    %dma_wait3A_155 = tpu.memref_squeeze %dma_wait3A_154 : memref<1x128xf32, #tpu.memory_space<vmem>> -> memref<128xf32, #tpu.memory_space<vmem>>
    %dma_wait3A_156 = arith.constant 0 : i32
    %dma_wait3A_157 = tpu.memref_slice %arg8[%dma_wait3A_151, %dma_wait3A_156] : memref<4x128xi32, #tpu.memory_space<vmem>> -> memref<1x128xi32, #tpu.memory_space<vmem>>
    %dma_wait3A_158 = tpu.memref_squeeze %dma_wait3A_157 : memref<1x128xi32, #tpu.memory_space<vmem>> -> memref<128xi32, #tpu.memory_space<vmem>>
    %dma_wait3A_159 = arith.constant 0 : i32
    %dma_wait3A_160 = tpu.memref_slice %arg4[%dma_wait3A_159] : memref<1000000xf32, #tpu.memory_space<hbm>> -> memref<1000000xf32, #tpu.memory_space<hbm>>
    tpu.wait_indirect_dma semaphore(%arg14 : memref<!tpu.dma_semaphore, #tpu.memory_space<semaphore_mem>>) src(%dma_wait3A_160 : memref<1000000xf32, #tpu.memory_space<hbm>>) dst(%dma_wait3A_155 : memref<128xf32, #tpu.memory_space<vmem>>)
    %dma_wait3A_161 = arith.constant 1 : i32
    %dma_wait3A_162 = arith.constant 1 : i32
    %dma_wait3A_163 = arith.constant 0 : i32
    %dma_wait3A_164 = tpu.memref_slice %arg10[%dma_wait3A_162, %dma_wait3A_163] : memref<4x128xf32, #tpu.memory_space<vmem>> -> memref<1x128xf32, #tpu.memory_space<vmem>>
    %dma_wait3A_165 = tpu.memref_squeeze %dma_wait3A_164 : memref<1x128xf32, #tpu.memory_space<vmem>> -> memref<128xf32, #tpu.memory_space<vmem>>
    %dma_wait3A_166 = arith.constant 0 : i32
    %dma_wait3A_167 = tpu.memref_slice %arg8[%dma_wait3A_161, %dma_wait3A_166] : memref<4x128xi32, #tpu.memory_space<vmem>> -> memref<1x128xi32, #tpu.memory_space<vmem>>
    %dma_wait3A_168 = tpu.memref_squeeze %dma_wait3A_167 : memref<1x128xi32, #tpu.memory_space<vmem>> -> memref<128xi32, #tpu.memory_space<vmem>>
    %dma_wait3A_169 = arith.constant 0 : i32
    %dma_wait3A_170 = tpu.memref_slice %arg4[%dma_wait3A_169] : memref<1000000xf32, #tpu.memory_space<hbm>> -> memref<1000000xf32, #tpu.memory_space<hbm>>
    tpu.wait_indirect_dma semaphore(%arg14 : memref<!tpu.dma_semaphore, #tpu.memory_space<semaphore_mem>>) src(%dma_wait3A_170 : memref<1000000xf32, #tpu.memory_space<hbm>>) dst(%dma_wait3A_165 : memref<128xf32, #tpu.memory_space<vmem>>)
    %dma_wait3A_171 = arith.constant 2 : i32
    %dma_wait3A_172 = arith.constant 2 : i32
    %dma_wait3A_173 = arith.constant 0 : i32
    %dma_wait3A_174 = tpu.memref_slice %arg10[%dma_wait3A_172, %dma_wait3A_173] : memref<4x128xf32, #tpu.memory_space<vmem>> -> memref<1x128xf32, #tpu.memory_space<vmem>>
    %dma_wait3A_175 = tpu.memref_squeeze %dma_wait3A_174 : memref<1x128xf32, #tpu.memory_space<vmem>> -> memref<128xf32, #tpu.memory_space<vmem>>
    %dma_wait3A_176 = arith.constant 0 : i32
    %dma_wait3A_177 = tpu.memref_slice %arg8[%dma_wait3A_171, %dma_wait3A_176] : memref<4x128xi32, #tpu.memory_space<vmem>> -> memref<1x128xi32, #tpu.memory_space<vmem>>
    %dma_wait3A_178 = tpu.memref_squeeze %dma_wait3A_177 : memref<1x128xi32, #tpu.memory_space<vmem>> -> memref<128xi32, #tpu.memory_space<vmem>>
    %dma_wait3A_179 = arith.constant 0 : i32
    %dma_wait3A_180 = tpu.memref_slice %arg4[%dma_wait3A_179] : memref<1000000xf32, #tpu.memory_space<hbm>> -> memref<1000000xf32, #tpu.memory_space<hbm>>
    tpu.wait_indirect_dma semaphore(%arg14 : memref<!tpu.dma_semaphore, #tpu.memory_space<semaphore_mem>>) src(%dma_wait3A_180 : memref<1000000xf32, #tpu.memory_space<hbm>>) dst(%dma_wait3A_175 : memref<128xf32, #tpu.memory_space<vmem>>)
    %dma_wait3A_181 = arith.constant 3 : i32
    %dma_wait3A_182 = arith.constant 3 : i32
    %dma_wait3A_183 = arith.constant 0 : i32
    %dma_wait3A_184 = tpu.memref_slice %arg10[%dma_wait3A_182, %dma_wait3A_183] : memref<4x128xf32, #tpu.memory_space<vmem>> -> memref<1x128xf32, #tpu.memory_space<vmem>>
    %dma_wait3A_185 = tpu.memref_squeeze %dma_wait3A_184 : memref<1x128xf32, #tpu.memory_space<vmem>> -> memref<128xf32, #tpu.memory_space<vmem>>
    %dma_wait3A_186 = arith.constant 0 : i32
    %dma_wait3A_187 = tpu.memref_slice %arg8[%dma_wait3A_181, %dma_wait3A_186] : memref<4x128xi32, #tpu.memory_space<vmem>> -> memref<1x128xi32, #tpu.memory_space<vmem>>
    %dma_wait3A_188 = tpu.memref_squeeze %dma_wait3A_187 : memref<1x128xi32, #tpu.memory_space<vmem>> -> memref<128xi32, #tpu.memory_space<vmem>>
    %dma_wait3A_189 = arith.constant 0 : i32
    %dma_wait3A_190 = tpu.memref_slice %arg4[%dma_wait3A_189] : memref<1000000xf32, #tpu.memory_space<hbm>> -> memref<1000000xf32, #tpu.memory_space<hbm>>
    tpu.wait_indirect_dma semaphore(%arg14 : memref<!tpu.dma_semaphore, #tpu.memory_space<semaphore_mem>>) src(%dma_wait3A_190 : memref<1000000xf32, #tpu.memory_space<hbm>>) dst(%dma_wait3A_185 : memref<128xf32, #tpu.memory_space<vmem>>)
    %dma_wait3A_191 = arith.constant 0 : i32
    %dma_wait3A_192 = arith.constant 0 : i32
    %dma_wait3A_193 = arith.constant 0 : i32
    %dma_wait3A_194 = tpu.memref_slice %arg11[%dma_wait3A_192, %dma_wait3A_193] : memref<4x128xf32, #tpu.memory_space<vmem>> -> memref<1x128xf32, #tpu.memory_space<vmem>>
    %dma_wait3A_195 = tpu.memref_squeeze %dma_wait3A_194 : memref<1x128xf32, #tpu.memory_space<vmem>> -> memref<128xf32, #tpu.memory_space<vmem>>
    %dma_wait3A_196 = arith.constant 0 : i32
    %dma_wait3A_197 = tpu.memref_slice %arg9[%dma_wait3A_191, %dma_wait3A_196] : memref<4x128xi32, #tpu.memory_space<vmem>> -> memref<1x128xi32, #tpu.memory_space<vmem>>
    %dma_wait3A_198 = tpu.memref_squeeze %dma_wait3A_197 : memref<1x128xi32, #tpu.memory_space<vmem>> -> memref<128xi32, #tpu.memory_space<vmem>>
    %dma_wait3A_199 = arith.constant 0 : i32
    %dma_wait3A_200 = tpu.memref_slice %arg5[%dma_wait3A_199] : memref<100000xf32, #tpu.memory_space<hbm>> -> memref<100000xf32, #tpu.memory_space<hbm>>
    tpu.wait_indirect_dma semaphore(%arg14 : memref<!tpu.dma_semaphore, #tpu.memory_space<semaphore_mem>>) src(%dma_wait3A_200 : memref<100000xf32, #tpu.memory_space<hbm>>) dst(%dma_wait3A_195 : memref<128xf32, #tpu.memory_space<vmem>>)
    %dma_wait3A_201 = arith.constant 0 : i32
    %dma_wait3A_202 = arith.constant 0 : i32
    %dma_wait3A_203 = arith.constant 0 : i32
    %dma_wait3A_204 = tpu.memref_slice %arg12[%dma_wait3A_202, %dma_wait3A_203] : memref<4x128xf32, #tpu.memory_space<vmem>> -> memref<1x128xf32, #tpu.memory_space<vmem>>
    %dma_wait3A_205 = tpu.memref_squeeze %dma_wait3A_204 : memref<1x128xf32, #tpu.memory_space<vmem>> -> memref<128xf32, #tpu.memory_space<vmem>>
    %dma_wait3A_206 = arith.constant 0 : i32
    %dma_wait3A_207 = tpu.memref_slice %arg9[%dma_wait3A_201, %dma_wait3A_206] : memref<4x128xi32, #tpu.memory_space<vmem>> -> memref<1x128xi32, #tpu.memory_space<vmem>>
    %dma_wait3A_208 = tpu.memref_squeeze %dma_wait3A_207 : memref<1x128xi32, #tpu.memory_space<vmem>> -> memref<128xi32, #tpu.memory_space<vmem>>
    %dma_wait3A_209 = arith.constant 0 : i32
    %dma_wait3A_210 = tpu.memref_slice %arg6[%dma_wait3A_209] : memref<100000xf32, #tpu.memory_space<hbm>> -> memref<100000xf32, #tpu.memory_space<hbm>>
    tpu.wait_indirect_dma semaphore(%arg14 : memref<!tpu.dma_semaphore, #tpu.memory_space<semaphore_mem>>) src(%dma_wait3A_210 : memref<100000xf32, #tpu.memory_space<hbm>>) dst(%dma_wait3A_205 : memref<128xf32, #tpu.memory_space<vmem>>)
    %dma_wait3A_211 = arith.constant 1 : i32
    %dma_wait3A_212 = arith.constant 1 : i32
    %dma_wait3A_213 = arith.constant 0 : i32
    %dma_wait3A_214 = tpu.memref_slice %arg11[%dma_wait3A_212, %dma_wait3A_213] : memref<4x128xf32, #tpu.memory_space<vmem>> -> memref<1x128xf32, #tpu.memory_space<vmem>>
    %dma_wait3A_215 = tpu.memref_squeeze %dma_wait3A_214 : memref<1x128xf32, #tpu.memory_space<vmem>> -> memref<128xf32, #tpu.memory_space<vmem>>
    %dma_wait3A_216 = arith.constant 0 : i32
    %dma_wait3A_217 = tpu.memref_slice %arg9[%dma_wait3A_211, %dma_wait3A_216] : memref<4x128xi32, #tpu.memory_space<vmem>> -> memref<1x128xi32, #tpu.memory_space<vmem>>
    %dma_wait3A_218 = tpu.memref_squeeze %dma_wait3A_217 : memref<1x128xi32, #tpu.memory_space<vmem>> -> memref<128xi32, #tpu.memory_space<vmem>>
    %dma_wait3A_219 = arith.constant 0 : i32
    %dma_wait3A_220 = tpu.memref_slice %arg5[%dma_wait3A_219] : memref<100000xf32, #tpu.memory_space<hbm>> -> memref<100000xf32, #tpu.memory_space<hbm>>
    tpu.wait_indirect_dma semaphore(%arg14 : memref<!tpu.dma_semaphore, #tpu.memory_space<semaphore_mem>>) src(%dma_wait3A_220 : memref<100000xf32, #tpu.memory_space<hbm>>) dst(%dma_wait3A_215 : memref<128xf32, #tpu.memory_space<vmem>>)
    %dma_wait3A_221 = arith.constant 1 : i32
    %dma_wait3A_222 = arith.constant 1 : i32
    %dma_wait3A_223 = arith.constant 0 : i32
    %dma_wait3A_224 = tpu.memref_slice %arg12[%dma_wait3A_222, %dma_wait3A_223] : memref<4x128xf32, #tpu.memory_space<vmem>> -> memref<1x128xf32, #tpu.memory_space<vmem>>
    %dma_wait3A_225 = tpu.memref_squeeze %dma_wait3A_224 : memref<1x128xf32, #tpu.memory_space<vmem>> -> memref<128xf32, #tpu.memory_space<vmem>>
    %dma_wait3A_226 = arith.constant 0 : i32
    %dma_wait3A_227 = tpu.memref_slice %arg9[%dma_wait3A_221, %dma_wait3A_226] : memref<4x128xi32, #tpu.memory_space<vmem>> -> memref<1x128xi32, #tpu.memory_space<vmem>>
    %dma_wait3A_228 = tpu.memref_squeeze %dma_wait3A_227 : memref<1x128xi32, #tpu.memory_space<vmem>> -> memref<128xi32, #tpu.memory_space<vmem>>
    %dma_wait3A_229 = arith.constant 0 : i32
    %dma_wait3A_230 = tpu.memref_slice %arg6[%dma_wait3A_229] : memref<100000xf32, #tpu.memory_space<hbm>> -> memref<100000xf32, #tpu.memory_space<hbm>>
    tpu.wait_indirect_dma semaphore(%arg14 : memref<!tpu.dma_semaphore, #tpu.memory_space<semaphore_mem>>) src(%dma_wait3A_230 : memref<100000xf32, #tpu.memory_space<hbm>>) dst(%dma_wait3A_225 : memref<128xf32, #tpu.memory_space<vmem>>)
    %dma_wait3A_231 = arith.constant 2 : i32
    %dma_wait3A_232 = arith.constant 2 : i32
    %dma_wait3A_233 = arith.constant 0 : i32
    %dma_wait3A_234 = tpu.memref_slice %arg11[%dma_wait3A_232, %dma_wait3A_233] : memref<4x128xf32, #tpu.memory_space<vmem>> -> memref<1x128xf32, #tpu.memory_space<vmem>>
    %dma_wait3A_235 = tpu.memref_squeeze %dma_wait3A_234 : memref<1x128xf32, #tpu.memory_space<vmem>> -> memref<128xf32, #tpu.memory_space<vmem>>
    %dma_wait3A_236 = arith.constant 0 : i32
    %dma_wait3A_237 = tpu.memref_slice %arg9[%dma_wait3A_231, %dma_wait3A_236] : memref<4x128xi32, #tpu.memory_space<vmem>> -> memref<1x128xi32, #tpu.memory_space<vmem>>
    %dma_wait3A_238 = tpu.memref_squeeze %dma_wait3A_237 : memref<1x128xi32, #tpu.memory_space<vmem>> -> memref<128xi32, #tpu.memory_space<vmem>>
    %dma_wait3A_239 = arith.constant 0 : i32
    %dma_wait3A_240 = tpu.memref_slice %arg5[%dma_wait3A_239] : memref<100000xf32, #tpu.memory_space<hbm>> -> memref<100000xf32, #tpu.memory_space<hbm>>
    tpu.wait_indirect_dma semaphore(%arg14 : memref<!tpu.dma_semaphore, #tpu.memory_space<semaphore_mem>>) src(%dma_wait3A_240 : memref<100000xf32, #tpu.memory_space<hbm>>) dst(%dma_wait3A_235 : memref<128xf32, #tpu.memory_space<vmem>>)
    %dma_wait3A_241 = arith.constant 2 : i32
    %dma_wait3A_242 = arith.constant 2 : i32
    %dma_wait3A_243 = arith.constant 0 : i32
    %dma_wait3A_244 = tpu.memref_slice %arg12[%dma_wait3A_242, %dma_wait3A_243] : memref<4x128xf32, #tpu.memory_space<vmem>> -> memref<1x128xf32, #tpu.memory_space<vmem>>
    %dma_wait3A_245 = tpu.memref_squeeze %dma_wait3A_244 : memref<1x128xf32, #tpu.memory_space<vmem>> -> memref<128xf32, #tpu.memory_space<vmem>>
    %dma_wait3A_246 = arith.constant 0 : i32
    %dma_wait3A_247 = tpu.memref_slice %arg9[%dma_wait3A_241, %dma_wait3A_246] : memref<4x128xi32, #tpu.memory_space<vmem>> -> memref<1x128xi32, #tpu.memory_space<vmem>>
    %dma_wait3A_248 = tpu.memref_squeeze %dma_wait3A_247 : memref<1x128xi32, #tpu.memory_space<vmem>> -> memref<128xi32, #tpu.memory_space<vmem>>
    %dma_wait3A_249 = arith.constant 0 : i32
    %dma_wait3A_250 = tpu.memref_slice %arg6[%dma_wait3A_249] : memref<100000xf32, #tpu.memory_space<hbm>> -> memref<100000xf32, #tpu.memory_space<hbm>>
    tpu.wait_indirect_dma semaphore(%arg14 : memref<!tpu.dma_semaphore, #tpu.memory_space<semaphore_mem>>) src(%dma_wait3A_250 : memref<100000xf32, #tpu.memory_space<hbm>>) dst(%dma_wait3A_245 : memref<128xf32, #tpu.memory_space<vmem>>)
    %dma_wait3A_251 = arith.constant 3 : i32
    %dma_wait3A_252 = arith.constant 3 : i32
    %dma_wait3A_253 = arith.constant 0 : i32
    %dma_wait3A_254 = tpu.memref_slice %arg11[%dma_wait3A_252, %dma_wait3A_253] : memref<4x128xf32, #tpu.memory_space<vmem>> -> memref<1x128xf32, #tpu.memory_space<vmem>>
    %dma_wait3A_255 = tpu.memref_squeeze %dma_wait3A_254 : memref<1x128xf32, #tpu.memory_space<vmem>> -> memref<128xf32, #tpu.memory_space<vmem>>
    %dma_wait3A_256 = arith.constant 0 : i32
    %dma_wait3A_257 = tpu.memref_slice %arg9[%dma_wait3A_251, %dma_wait3A_256] : memref<4x128xi32, #tpu.memory_space<vmem>> -> memref<1x128xi32, #tpu.memory_space<vmem>>
    %dma_wait3A_258 = tpu.memref_squeeze %dma_wait3A_257 : memref<1x128xi32, #tpu.memory_space<vmem>> -> memref<128xi32, #tpu.memory_space<vmem>>
    %dma_wait3A_259 = arith.constant 0 : i32
    %dma_wait3A_260 = tpu.memref_slice %arg5[%dma_wait3A_259] : memref<100000xf32, #tpu.memory_space<hbm>> -> memref<100000xf32, #tpu.memory_space<hbm>>
    tpu.wait_indirect_dma semaphore(%arg14 : memref<!tpu.dma_semaphore, #tpu.memory_space<semaphore_mem>>) src(%dma_wait3A_260 : memref<100000xf32, #tpu.memory_space<hbm>>) dst(%dma_wait3A_255 : memref<128xf32, #tpu.memory_space<vmem>>)
    %dma_wait3A_261 = arith.constant 3 : i32
    %dma_wait3A_262 = arith.constant 3 : i32
    %dma_wait3A_263 = arith.constant 0 : i32
    %dma_wait3A_264 = tpu.memref_slice %arg12[%dma_wait3A_262, %dma_wait3A_263] : memref<4x128xf32, #tpu.memory_space<vmem>> -> memref<1x128xf32, #tpu.memory_space<vmem>>
    %dma_wait3A_265 = tpu.memref_squeeze %dma_wait3A_264 : memref<1x128xf32, #tpu.memory_space<vmem>> -> memref<128xf32, #tpu.memory_space<vmem>>
    %dma_wait3A_266 = arith.constant 0 : i32
    %dma_wait3A_267 = tpu.memref_slice %arg9[%dma_wait3A_261, %dma_wait3A_266] : memref<4x128xi32, #tpu.memory_space<vmem>> -> memref<1x128xi32, #tpu.memory_space<vmem>>
    %dma_wait3A_268 = tpu.memref_squeeze %dma_wait3A_267 : memref<1x128xi32, #tpu.memory_space<vmem>> -> memref<128xi32, #tpu.memory_space<vmem>>
    %dma_wait3A_269 = arith.constant 0 : i32
    %dma_wait3A_270 = tpu.memref_slice %arg6[%dma_wait3A_269] : memref<100000xf32, #tpu.memory_space<hbm>> -> memref<100000xf32, #tpu.memory_space<hbm>>
    tpu.wait_indirect_dma semaphore(%arg14 : memref<!tpu.dma_semaphore, #tpu.memory_space<semaphore_mem>>) src(%dma_wait3A_270 : memref<100000xf32, #tpu.memory_space<hbm>>) dst(%dma_wait3A_265 : memref<128xf32, #tpu.memory_space<vmem>>)
    %get3A = arith.constant 0 : i32
    %get3A_271 = arith.index_cast %get3A : i32 to index
    %get3A_272 = arith.constant 0 : index
    %get3A_273 = tpu.vector_load %arg10[%get3A_271, %get3A_272] {strides = array<i32>} : memref<4x128xf32, #tpu.memory_space<vmem>>, vector<1x16xf32>,
    %get3A_274 = vector.shape_cast %get3A_273 : vector<1x16xf32> to vector<16xf32>
    %get3A_275 = arith.constant 0 : i32
    %get3A_276 = arith.index_cast %get3A_275 : i32 to index
    %get3A_277 = arith.constant 0 : index
    %get3A_278 = tpu.vector_load %arg11[%get3A_276, %get3A_277] {strides = array<i32>} : memref<4x128xf32, #tpu.memory_space<vmem>>, vector<1x16xf32>,
    %get3A_279 = vector.shape_cast %get3A_278 : vector<1x16xf32> to vector<16xf32>
    %get3A_280 = arith.constant 0 : i32
    %get3A_281 = arith.index_cast %get3A_280 : i32 to index
    %get3A_282 = arith.constant 0 : index
    %get3A_283 = tpu.vector_load %arg12[%get3A_281, %get3A_282] {strides = array<i32>} : memref<4x128xf32, #tpu.memory_space<vmem>>, vector<1x16xf32>,
    %get3A_284 = vector.shape_cast %get3A_283 : vector<1x16xf32> to vector<16xf32>
    %sub3A = arith.subf %get3A_274, %get3A_284 : vector<16xf32>
    %mul3A_285 = arith.constant 3.400000e+00 : f32
    %mul3A_286 = vector.broadcast %mul3A_285 : f32 to vector<16xf32>
    %mul3A_287 = arith.mulf %mul3A_286, %sub3A : vector<16xf32>
    %neg3A = arith.constant 0.000000e+00 : f32
    %neg3A_288 = vector.broadcast %neg3A : f32 to vector<16xf32>
    %neg3A_289 = arith.subf %neg3A_288, %get3A_279 : vector<16xf32>
    %exp3A = math.exp %neg3A_289 : vector<16xf32>
    %add3A_290 = arith.constant 1.000000e+00 : f32
    %add3A_291 = vector.broadcast %add3A_290 : f32 to vector<16xf32>
    %add3A_292 = arith.addf %add3A_291, %exp3A : vector<16xf32>
    %div3A = arith.divf %mul3A_287, %add3A_292 : vector<16xf32>
    %neg3A_293 = arith.constant 0.000000e+00 : f32
    %neg3A_294 = vector.broadcast %neg3A_293 : f32 to vector<16xf32>
    %neg3A_295 = arith.subf %neg3A_294, %div3A : vector<16xf32>
    %exp3A_296 = math.exp %neg3A_295 : vector<16xf32>
    %add3A_297 = arith.constant 1.000000e+00 : f32
    %add3A_298 = vector.broadcast %add3A_297 : f32 to vector<16xf32>
    %add3A_299 = arith.addf %add3A_298, %exp3A_296 : vector<16xf32>
    %div3A_300 = arith.constant 1.000000e+00 : f32
    %div3A_301 = vector.broadcast %div3A_300 : f32 to vector<16xf32>
    %div3A_302 = arith.divf %div3A_301, %add3A_299 : vector<16xf32>
    %swap3A = arith.constant 0 : i32
    %swap3A_303 = arith.index_cast %swap3A : i32 to index
    %swap3A_304 = arith.constant 0 : index
    %swap3A_305 = tpu.vector_load %arg13[%swap3A_303, %swap3A_304] {strides = array<i32>} : memref<4x128xf32, #tpu.memory_space<vmem>>, vector<1x16xf32>,
    %swap3A_306 = vector.shape_cast %swap3A_305 : vector<1x16xf32> to vector<16xf32>
    %swap3A_307 = vector.shape_cast %div3A_302 : vector<16xf32> to vector<1x16xf32>
    tpu.vector_store %arg13[%swap3A_303, %swap3A_304], %swap3A_307 {strides = array<i32>} : memref<4x128xf32, #tpu.memory_space<vmem>>, vector<1x16xf32>,
    %get3A_308 = arith.constant 0 : i32
    %get3A_309 = arith.index_cast %get3A_308 : i32 to index
    %get3A_310 = arith.constant 16 : index
    %get3A_311 = tpu.vector_load %arg10[%get3A_309, %get3A_310] {strides = array<i32>} : memref<4x128xf32, #tpu.memory_space<vmem>>, vector<1x16xf32>,
    %get3A_312 = vector.shape_cast %get3A_311 : vector<1x16xf32> to vector<16xf32>
    %get3A_313 = arith.constant 0 : i32
    %get3A_314 = arith.index_cast %get3A_313 : i32 to index
    %get3A_315 = arith.constant 16 : index
    %get3A_316 = tpu.vector_load %arg11[%get3A_314, %get3A_315] {strides = array<i32>} : memref<4x128xf32, #tpu.memory_space<vmem>>, vector<1x16xf32>,
    %get3A_317 = vector.shape_cast %get3A_316 : vector<1x16xf32> to vector<16xf32>
    %get3A_318 = arith.constant 0 : i32
    %get3A_319 = arith.index_cast %get3A_318 : i32 to index
    %get3A_320 = arith.constant 16 : index
    %get3A_321 = tpu.vector_load %arg12[%get3A_319, %get3A_320] {strides = array<i32>} : memref<4x128xf32, #tpu.memory_space<vmem>>, vector<1x16xf32>,
    %get3A_322 = vector.shape_cast %get3A_321 : vector<1x16xf32> to vector<16xf32>
    %sub3A_323 = arith.subf %get3A_312, %get3A_322 : vector<16xf32>
    %mul3A_324 = arith.constant 3.400000e+00 : f32
    %mul3A_325 = vector.broadcast %mul3A_324 : f32 to vector<16xf32>
    %mul3A_326 = arith.mulf %mul3A_325, %sub3A_323 : vector<16xf32>
    %neg3A_327 = arith.constant 0.000000e+00 : f32
    %neg3A_328 = vector.broadcast %neg3A_327 : f32 to vector<16xf32>
    %neg3A_329 = arith.subf %neg3A_328, %get3A_317 : vector<16xf32>
    %exp3A_330 = math.exp %neg3A_329 : vector<16xf32>
    %add3A_331 = arith.constant 1.000000e+00 : f32
    %add3A_332 = vector.broadcast %add3A_331 : f32 to vector<16xf32>
    %add3A_333 = arith.addf %add3A_332, %exp3A_330 : vector<16xf32>
    %div3A_334 = arith.divf %mul3A_326, %add3A_333 : vector<16xf32>
    %neg3A_335 = arith.constant 0.000000e+00 : f32
    %neg3A_336 = vector.broadcast %neg3A_335 : f32 to vector<16xf32>
    %neg3A_337 = arith.subf %neg3A_336, %div3A_334 : vector<16xf32>
    %exp3A_338 = math.exp %neg3A_337 : vector<16xf32>
    %add3A_339 = arith.constant 1.000000e+00 : f32
    %add3A_340 = vector.broadcast %add3A_339 : f32 to vector<16xf32>
    %add3A_341 = arith.addf %add3A_340, %exp3A_338 : vector<16xf32>
    %div3A_342 = arith.constant 1.000000e+00 : f32
    %div3A_343 = vector.broadcast %div3A_342 : f32 to vector<16xf32>
    %div3A_344 = arith.divf %div3A_343, %add3A_341 : vector<16xf32>
    %swap3A_345 = arith.constant 0 : i32
    %swap3A_346 = arith.index_cast %swap3A_345 : i32 to index
    %swap3A_347 = arith.constant 16 : index
    %swap3A_348 = tpu.vector_load %arg13[%swap3A_346, %swap3A_347] {strides = array<i32>} : memref<4x128xf32, #tpu.memory_space<vmem>>, vector<1x16xf32>,
    %swap3A_349 = vector.shape_cast %swap3A_348 : vector<1x16xf32> to vector<16xf32>
    %swap3A_350 = vector.shape_cast %div3A_344 : vector<16xf32> to vector<1x16xf32>
    tpu.vector_store %arg13[%swap3A_346, %swap3A_347], %swap3A_350 {strides = array<i32>} : memref<4x128xf32, #tpu.memory_space<vmem>>, vector<1x16xf32>,
    %get3A_351 = arith.constant 0 : i32
    %get3A_352 = arith.index_cast %get3A_351 : i32 to index
    %get3A_353 = arith.constant 32 : index
    %get3A_354 = tpu.vector_load %arg10[%get3A_352, %get3A_353] {strides = array<i32>} : memref<4x128xf32, #tpu.memory_space<vmem>>, vector<1x16xf32>,
    %get3A_355 = vector.shape_cast %get3A_354 : vector<1x16xf32> to vector<16xf32>
    %get3A_356 = arith.constant 0 : i32
    %get3A_357 = arith.index_cast %get3A_356 : i32 to index
    %get3A_358 = arith.constant 32 : index
    %get3A_359 = tpu.vector_load %arg11[%get3A_357, %get3A_358] {strides = array<i32>} : memref<4x128xf32, #tpu.memory_space<vmem>>, vector<1x16xf32>,
    %get3A_360 = vector.shape_cast %get3A_359 : vector<1x16xf32> to vector<16xf32>
    %get3A_361 = arith.constant 0 : i32
    %get3A_362 = arith.index_cast %get3A_361 : i32 to index
    %get3A_363 = arith.constant 32 : index
    %get3A_364 = tpu.vector_load %arg12[%get3A_362, %get3A_363] {strides = array<i32>} : memref<4x128xf32, #tpu.memory_space<vmem>>, vector<1x16xf32>,
    %get3A_365 = vector.shape_cast %get3A_364 : vector<1x16xf32> to vector<16xf32>
    %sub3A_366 = arith.subf %get3A_355, %get3A_365 : vector<16xf32>
    %mul3A_367 = arith.constant 3.400000e+00 : f32
    %mul3A_368 = vector.broadcast %mul3A_367 : f32 to vector<16xf32>
    %mul3A_369 = arith.mulf %mul3A_368, %sub3A_366 : vector<16xf32>
    %neg3A_370 = arith.constant 0.000000e+00 : f32
    %neg3A_371 = vector.broadcast %neg3A_370 : f32 to vector<16xf32>
    %neg3A_372 = arith.subf %neg3A_371, %get3A_360 : vector<16xf32>
    %exp3A_373 = math.exp %neg3A_372 : vector<16xf32>
    %add3A_374 = arith.constant 1.000000e+00 : f32
    %add3A_375 = vector.broadcast %add3A_374 : f32 to vector<16xf32>
    %add3A_376 = arith.addf %add3A_375, %exp3A_373 : vector<16xf32>
    %div3A_377 = arith.divf %mul3A_369, %add3A_376 : vector<16xf32>
    %neg3A_378 = arith.constant 0.000000e+00 : f32
    %neg3A_379 = vector.broadcast %neg3A_378 : f32 to vector<16xf32>
    %neg3A_380 = arith.subf %neg3A_379, %div3A_377 : vector<16xf32>
    %exp3A_381 = math.exp %neg3A_380 : vector<16xf32>
    %add3A_382 = arith.constant 1.000000e+00 : f32
    %add3A_383 = vector.broadcast %add3A_382 : f32 to vector<16xf32>
    %add3A_384 = arith.addf %add3A_383, %exp3A_381 : vector<16xf32>
    %div3A_385 = arith.constant 1.000000e+00 : f32
    %div3A_386 = vector.broadcast %div3A_385 : f32 to vector<16xf32>
    %div3A_387 = arith.divf %div3A_386, %add3A_384 : vector<16xf32>
    %swap3A_388 = arith.constant 0 : i32
    %swap3A_389 = arith.index_cast %swap3A_388 : i32 to index
    %swap3A_390 = arith.constant 32 : index
    %swap3A_391 = tpu.vector_load %arg13[%swap3A_389, %swap3A_390] {strides = array<i32>} : memref<4x128xf32, #tpu.memory_space<vmem>>, vector<1x16xf32>,
    %swap3A_392 = vector.shape_cast %swap3A_391 : vector<1x16xf32> to vector<16xf32>
    %swap3A_393 = vector.shape_cast %div3A_387 : vector<16xf32> to vector<1x16xf32>
    tpu.vector_store %arg13[%swap3A_389, %swap3A_390], %swap3A_393 {strides = array<i32>} : memref<4x128xf32, #tpu.memory_space<vmem>>, vector<1x16xf32>,
    %get3A_394 = arith.constant 0 : i32
    %get3A_395 = arith.index_cast %get3A_394 : i32 to index
    %get3A_396 = arith.constant 48 : index
    %get3A_397 = tpu.vector_load %arg10[%get3A_395, %get3A_396] {strides = array<i32>} : memref<4x128xf32, #tpu.memory_space<vmem>>, vector<1x16xf32>,
    %get3A_398 = vector.shape_cast %get3A_397 : vector<1x16xf32> to vector<16xf32>
    %get3A_399 = arith.constant 0 : i32
    %get3A_400 = arith.index_cast %get3A_399 : i32 to index
    %get3A_401 = arith.constant 48 : index
    %get3A_402 = tpu.vector_load %arg11[%get3A_400, %get3A_401] {strides = array<i32>} : memref<4x128xf32, #tpu.memory_space<vmem>>, vector<1x16xf32>,
    %get3A_403 = vector.shape_cast %get3A_402 : vector<1x16xf32> to vector<16xf32>
    %get3A_404 = arith.constant 0 : i32
    %get3A_405 = arith.index_cast %get3A_404 : i32 to index
    %get3A_406 = arith.constant 48 : index
    %get3A_407 = tpu.vector_load %arg12[%get3A_405, %get3A_406] {strides = array<i32>} : memref<4x128xf32, #tpu.memory_space<vmem>>, vector<1x16xf32>,
    %get3A_408 = vector.shape_cast %get3A_407 : vector<1x16xf32> to vector<16xf32>
    %sub3A_409 = arith.subf %get3A_398, %get3A_408 : vector<16xf32>
    %mul3A_410 = arith.constant 3.400000e+00 : f32
    %mul3A_411 = vector.broadcast %mul3A_410 : f32 to vector<16xf32>
    %mul3A_412 = arith.mulf %mul3A_411, %sub3A_409 : vector<16xf32>
    %neg3A_413 = arith.constant 0.000000e+00 : f32
    %neg3A_414 = vector.broadcast %neg3A_413 : f32 to vector<16xf32>
    %neg3A_415 = arith.subf %neg3A_414, %get3A_403 : vector<16xf32>
    %exp3A_416 = math.exp %neg3A_415 : vector<16xf32>
    %add3A_417 = arith.constant 1.000000e+00 : f32
    %add3A_418 = vector.broadcast %add3A_417 : f32 to vector<16xf32>
    %add3A_419 = arith.addf %add3A_418, %exp3A_416 : vector<16xf32>
    %div3A_420 = arith.divf %mul3A_412, %add3A_419 : vector<16xf32>
    %neg3A_421 = arith.constant 0.000000e+00 : f32
    %neg3A_422 = vector.broadcast %neg3A_421 : f32 to vector<16xf32>
    %neg3A_423 = arith.subf %neg3A_422, %div3A_420 : vector<16xf32>
    %exp3A_424 = math.exp %neg3A_423 : vector<16xf32>
    %add3A_425 = arith.constant 1.000000e+00 : f32
    %add3A_426 = vector.broadcast %add3A_425 : f32 to vector<16xf32>
    %add3A_427 = arith.addf %add3A_426, %exp3A_424 : vector<16xf32>
    %div3A_428 = arith.constant 1.000000e+00 : f32
    %div3A_429 = vector.broadcast %div3A_428 : f32 to vector<16xf32>
    %div3A_430 = arith.divf %div3A_429, %add3A_427 : vector<16xf32>
    %swap3A_431 = arith.constant 0 : i32
    %swap3A_432 = arith.index_cast %swap3A_431 : i32 to index
    %swap3A_433 = arith.constant 48 : index
    %swap3A_434 = tpu.vector_load %arg13[%swap3A_432, %swap3A_433] {strides = array<i32>} : memref<4x128xf32, #tpu.memory_space<vmem>>, vector<1x16xf32>,
    %swap3A_435 = vector.shape_cast %swap3A_434 : vector<1x16xf32> to vector<16xf32>
    %swap3A_436 = vector.shape_cast %div3A_430 : vector<16xf32> to vector<1x16xf32>
    tpu.vector_store %arg13[%swap3A_432, %swap3A_433], %swap3A_436 {strides = array<i32>} : memref<4x128xf32, #tpu.memory_space<vmem>>, vector<1x16xf32>,
    %get3A_437 = arith.constant 0 : i32
    %get3A_438 = arith.index_cast %get3A_437 : i32 to index
    %get3A_439 = arith.constant 64 : index
    %get3A_440 = tpu.vector_load %arg10[%get3A_438, %get3A_439] {strides = array<i32>} : memref<4x128xf32, #tpu.memory_space<vmem>>, vector<1x16xf32>,
    %get3A_441 = vector.shape_cast %get3A_440 : vector<1x16xf32> to vector<16xf32>
    %get3A_442 = arith.constant 0 : i32
    %get3A_443 = arith.index_cast %get3A_442 : i32 to index
    %get3A_444 = arith.constant 64 : index
    %get3A_445 = tpu.vector_load %arg11[%get3A_443, %get3A_444] {strides = array<i32>} : memref<4x128xf32, #tpu.memory_space<vmem>>, vector<1x16xf32>,
    %get3A_446 = vector.shape_cast %get3A_445 : vector<1x16xf32> to vector<16xf32>
    %get3A_447 = arith.constant 0 : i32
    %get3A_448 = arith.index_cast %get3A_447 : i32 to index
    %get3A_449 = arith.constant 64 : index
    %get3A_450 = tpu.vector_load %arg12[%get3A_448, %get3A_449] {strides = array<i32>} : memref<4x128xf32, #tpu.memory_space<vmem>>, vector<1x16xf32>,
    %get3A_451 = vector.shape_cast %get3A_450 : vector<1x16xf32> to vector<16xf32>
    %sub3A_452 = arith.subf %get3A_441, %get3A_451 : vector<16xf32>
    %mul3A_453 = arith.constant 3.400000e+00 : f32
    %mul3A_454 = vector.broadcast %mul3A_453 : f32 to vector<16xf32>
    %mul3A_455 = arith.mulf %mul3A_454, %sub3A_452 : vector<16xf32>
    %neg3A_456 = arith.constant 0.000000e+00 : f32
    %neg3A_457 = vector.broadcast %neg3A_456 : f32 to vector<16xf32>
    %neg3A_458 = arith.subf %neg3A_457, %get3A_446 : vector<16xf32>
    %exp3A_459 = math.exp %neg3A_458 : vector<16xf32>
    %add3A_460 = arith.constant 1.000000e+00 : f32
    %add3A_461 = vector.broadcast %add3A_460 : f32 to vector<16xf32>
    %add3A_462 = arith.addf %add3A_461, %exp3A_459 : vector<16xf32>
    %div3A_463 = arith.divf %mul3A_455, %add3A_462 : vector<16xf32>
    %neg3A_464 = arith.constant 0.000000e+00 : f32
    %neg3A_465 = vector.broadcast %neg3A_464 : f32 to vector<16xf32>
    %neg3A_466 = arith.subf %neg3A_465, %div3A_463 : vector<16xf32>
    %exp3A_467 = math.exp %neg3A_466 : vector<16xf32>
    %add3A_468 = arith.constant 1.000000e+00 : f32
    %add3A_469 = vector.broadcast %add3A_468 : f32 to vector<16xf32>
    %add3A_470 = arith.addf %add3A_469, %exp3A_467 : vector<16xf32>
    %div3A_471 = arith.constant 1.000000e+00 : f32
    %div3A_472 = vector.broadcast %div3A_471 : f32 to vector<16xf32>
    %div3A_473 = arith.divf %div3A_472, %add3A_470 : vector<16xf32>
    %swap3A_474 = arith.constant 0 : i32
    %swap3A_475 = arith.index_cast %swap3A_474 : i32 to index
    %swap3A_476 = arith.constant 64 : index
    %swap3A_477 = tpu.vector_load %arg13[%swap3A_475, %swap3A_476] {strides = array<i32>} : memref<4x128xf32, #tpu.memory_space<vmem>>, vector<1x16xf32>,
    %swap3A_478 = vector.shape_cast %swap3A_477 : vector<1x16xf32> to vector<16xf32>
    %swap3A_479 = vector.shape_cast %div3A_473 : vector<16xf32> to vector<1x16xf32>
    tpu.vector_store %arg13[%swap3A_475, %swap3A_476], %swap3A_479 {strides = array<i32>} : memref<4x128xf32, #tpu.memory_space<vmem>>, vector<1x16xf32>,
    %get3A_480 = arith.constant 0 : i32
    %get3A_481 = arith.index_cast %get3A_480 : i32 to index
    %get3A_482 = arith.constant 80 : index
    %get3A_483 = tpu.vector_load %arg10[%get3A_481, %get3A_482] {strides = array<i32>} : memref<4x128xf32, #tpu.memory_space<vmem>>, vector<1x16xf32>,
    %get3A_484 = vector.shape_cast %get3A_483 : vector<1x16xf32> to vector<16xf32>
    %get3A_485 = arith.constant 0 : i32
    %get3A_486 = arith.index_cast %get3A_485 : i32 to index
    %get3A_487 = arith.constant 80 : index
    %get3A_488 = tpu.vector_load %arg11[%get3A_486, %get3A_487] {strides = array<i32>} : memref<4x128xf32, #tpu.memory_space<vmem>>, vector<1x16xf32>,
    %get3A_489 = vector.shape_cast %get3A_488 : vector<1x16xf32> to vector<16xf32>
    %get3A_490 = arith.constant 0 : i32
    %get3A_491 = arith.index_cast %get3A_490 : i32 to index
    %get3A_492 = arith.constant 80 : index
    %get3A_493 = tpu.vector_load %arg12[%get3A_491, %get3A_492] {strides = array<i32>} : memref<4x128xf32, #tpu.memory_space<vmem>>, vector<1x16xf32>,
    %get3A_494 = vector.shape_cast %get3A_493 : vector<1x16xf32> to vector<16xf32>
    %sub3A_495 = arith.subf %get3A_484, %get3A_494 : vector<16xf32>
    %mul3A_496 = arith.constant 3.400000e+00 : f32
    %mul3A_497 = vector.broadcast %mul3A_496 : f32 to vector<16xf32>
    %mul3A_498 = arith.mulf %mul3A_497, %sub3A_495 : vector<16xf32>
    %neg3A_499 = arith.constant 0.000000e+00 : f32
    %neg3A_500 = vector.broadcast %neg3A_499 : f32 to vector<16xf32>
    %neg3A_501 = arith.subf %neg3A_500, %get3A_489 : vector<16xf32>
    %exp3A_502 = math.exp %neg3A_501 : vector<16xf32>
    %add3A_503 = arith.constant 1.000000e+00 : f32
    %add3A_504 = vector.broadcast %add3A_503 : f32 to vector<16xf32>
    %add3A_505 = arith.addf %add3A_504, %exp3A_502 : vector<16xf32>
    %div3A_506 = arith.divf %mul3A_498, %add3A_505 : vector<16xf32>
    %neg3A_507 = arith.constant 0.000000e+00 : f32
    %neg3A_508 = vector.broadcast %neg3A_507 : f32 to vector<16xf32>
    %neg3A_509 = arith.subf %neg3A_508, %div3A_506 : vector<16xf32>
    %exp3A_510 = math.exp %neg3A_509 : vector<16xf32>
    %add3A_511 = arith.constant 1.000000e+00 : f32
    %add3A_512 = vector.broadcast %add3A_511 : f32 to vector<16xf32>
    %add3A_513 = arith.addf %add3A_512, %exp3A_510 : vector<16xf32>
    %div3A_514 = arith.constant 1.000000e+00 : f32
    %div3A_515 = vector.broadcast %div3A_514 : f32 to vector<16xf32>
    %div3A_516 = arith.divf %div3A_515, %add3A_513 : vector<16xf32>
    %swap3A_517 = arith.constant 0 : i32
    %swap3A_518 = arith.index_cast %swap3A_517 : i32 to index
    %swap3A_519 = arith.constant 80 : index
    %swap3A_520 = tpu.vector_load %arg13[%swap3A_518, %swap3A_519] {strides = array<i32>} : memref<4x128xf32, #tpu.memory_space<vmem>>, vector<1x16xf32>,
    %swap3A_521 = vector.shape_cast %swap3A_520 : vector<1x16xf32> to vector<16xf32>
    %swap3A_522 = vector.shape_cast %div3A_516 : vector<16xf32> to vector<1x16xf32>
    tpu.vector_store %arg13[%swap3A_518, %swap3A_519], %swap3A_522 {strides = array<i32>} : memref<4x128xf32, #tpu.memory_space<vmem>>, vector<1x16xf32>,
    %get3A_523 = arith.constant 0 : i32
    %get3A_524 = arith.index_cast %get3A_523 : i32 to index
    %get3A_525 = arith.constant 96 : index
    %get3A_526 = tpu.vector_load %arg10[%get3A_524, %get3A_525] {strides = array<i32>} : memref<4x128xf32, #tpu.memory_space<vmem>>, vector<1x16xf32>,
    %get3A_527 = vector.shape_cast %get3A_526 : vector<1x16xf32> to vector<16xf32>
    %get3A_528 = arith.constant 0 : i32
    %get3A_529 = arith.index_cast %get3A_528 : i32 to index
    %get3A_530 = arith.constant 96 : index
    %get3A_531 = tpu.vector_load %arg11[%get3A_529, %get3A_530] {strides = array<i32>} : memref<4x128xf32, #tpu.memory_space<vmem>>, vector<1x16xf32>,
    %get3A_532 = vector.shape_cast %get3A_531 : vector<1x16xf32> to vector<16xf32>
    %get3A_533 = arith.constant 0 : i32
    %get3A_534 = arith.index_cast %get3A_533 : i32 to index
    %get3A_535 = arith.constant 96 : index
    %get3A_536 = tpu.vector_load %arg12[%get3A_534, %get3A_535] {strides = array<i32>} : memref<4x128xf32, #tpu.memory_space<vmem>>, vector<1x16xf32>,
    %get3A_537 = vector.shape_cast %get3A_536 : vector<1x16xf32> to vector<16xf32>
    %sub3A_538 = arith.subf %get3A_527, %get3A_537 : vector<16xf32>
    %mul3A_539 = arith.constant 3.400000e+00 : f32
    %mul3A_540 = vector.broadcast %mul3A_539 : f32 to vector<16xf32>
    %mul3A_541 = arith.mulf %mul3A_540, %sub3A_538 : vector<16xf32>
    %neg3A_542 = arith.constant 0.000000e+00 : f32
    %neg3A_543 = vector.broadcast %neg3A_542 : f32 to vector<16xf32>
    %neg3A_544 = arith.subf %neg3A_543, %get3A_532 : vector<16xf32>
    %exp3A_545 = math.exp %neg3A_544 : vector<16xf32>
    %add3A_546 = arith.constant 1.000000e+00 : f32
    %add3A_547 = vector.broadcast %add3A_546 : f32 to vector<16xf32>
    %add3A_548 = arith.addf %add3A_547, %exp3A_545 : vector<16xf32>
    %div3A_549 = arith.divf %mul3A_541, %add3A_548 : vector<16xf32>
    %neg3A_550 = arith.constant 0.000000e+00 : f32
    %neg3A_551 = vector.broadcast %neg3A_550 : f32 to vector<16xf32>
    %neg3A_552 = arith.subf %neg3A_551, %div3A_549 : vector<16xf32>
    %exp3A_553 = math.exp %neg3A_552 : vector<16xf32>
    %add3A_554 = arith.constant 1.000000e+00 : f32
    %add3A_555 = vector.broadcast %add3A_554 : f32 to vector<16xf32>
    %add3A_556 = arith.addf %add3A_555, %exp3A_553 : vector<16xf32>
    %div3A_557 = arith.constant 1.000000e+00 : f32
    %div3A_558 = vector.broadcast %div3A_557 : f32 to vector<16xf32>
    %div3A_559 = arith.divf %div3A_558, %add3A_556 : vector<16xf32>
    %swap3A_560 = arith.constant 0 : i32
    %swap3A_561 = arith.index_cast %swap3A_560 : i32 to index
    %swap3A_562 = arith.constant 96 : index
    %swap3A_563 = tpu.vector_load %arg13[%swap3A_561, %swap3A_562] {strides = array<i32>} : memref<4x128xf32, #tpu.memory_space<vmem>>, vector<1x16xf32>,
    %swap3A_564 = vector.shape_cast %swap3A_563 : vector<1x16xf32> to vector<16xf32>
    %swap3A_565 = vector.shape_cast %div3A_559 : vector<16xf32> to vector<1x16xf32>
    tpu.vector_store %arg13[%swap3A_561, %swap3A_562], %swap3A_565 {strides = array<i32>} : memref<4x128xf32, #tpu.memory_space<vmem>>, vector<1x16xf32>,
    %get3A_566 = arith.constant 0 : i32
    %get3A_567 = arith.index_cast %get3A_566 : i32 to index
    %get3A_568 = arith.constant 112 : index
    %get3A_569 = tpu.vector_load %arg10[%get3A_567, %get3A_568] {strides = array<i32>} : memref<4x128xf32, #tpu.memory_space<vmem>>, vector<1x16xf32>,
    %get3A_570 = vector.shape_cast %get3A_569 : vector<1x16xf32> to vector<16xf32>
    %get3A_571 = arith.constant 0 : i32
    %get3A_572 = arith.index_cast %get3A_571 : i32 to index
    %get3A_573 = arith.constant 112 : index
    %get3A_574 = tpu.vector_load %arg11[%get3A_572, %get3A_573] {strides = array<i32>} : memref<4x128xf32, #tpu.memory_space<vmem>>, vector<1x16xf32>,
    %get3A_575 = vector.shape_cast %get3A_574 : vector<1x16xf32> to vector<16xf32>
    %get3A_576 = arith.constant 0 : i32
    %get3A_577 = arith.index_cast %get3A_576 : i32 to index
    %get3A_578 = arith.constant 112 : index
    %get3A_579 = tpu.vector_load %arg12[%get3A_577, %get3A_578] {strides = array<i32>} : memref<4x128xf32, #tpu.memory_space<vmem>>, vector<1x16xf32>,
    %get3A_580 = vector.shape_cast %get3A_579 : vector<1x16xf32> to vector<16xf32>
    %sub3A_581 = arith.subf %get3A_570, %get3A_580 : vector<16xf32>
    %mul3A_582 = arith.constant 3.400000e+00 : f32
    %mul3A_583 = vector.broadcast %mul3A_582 : f32 to vector<16xf32>
    %mul3A_584 = arith.mulf %mul3A_583, %sub3A_581 : vector<16xf32>
    %neg3A_585 = arith.constant 0.000000e+00 : f32
    %neg3A_586 = vector.broadcast %neg3A_585 : f32 to vector<16xf32>
    %neg3A_587 = arith.subf %neg3A_586, %get3A_575 : vector<16xf32>
    %exp3A_588 = math.exp %neg3A_587 : vector<16xf32>
    %add3A_589 = arith.constant 1.000000e+00 : f32
    %add3A_590 = vector.broadcast %add3A_589 : f32 to vector<16xf32>
    %add3A_591 = arith.addf %add3A_590, %exp3A_588 : vector<16xf32>
    %div3A_592 = arith.divf %mul3A_584, %add3A_591 : vector<16xf32>
    %neg3A_593 = arith.constant 0.000000e+00 : f32
    %neg3A_594 = vector.broadcast %neg3A_593 : f32 to vector<16xf32>
    %neg3A_595 = arith.subf %neg3A_594, %div3A_592 : vector<16xf32>
    %exp3A_596 = math.exp %neg3A_595 : vector<16xf32>
    %add3A_597 = arith.constant 1.000000e+00 : f32
    %add3A_598 = vector.broadcast %add3A_597 : f32 to vector<16xf32>
    %add3A_599 = arith.addf %add3A_598, %exp3A_596 : vector<16xf32>
    %div3A_600 = arith.constant 1.000000e+00 : f32
    %div3A_601 = vector.broadcast %div3A_600 : f32 to vector<16xf32>
    %div3A_602 = arith.divf %div3A_601, %add3A_599 : vector<16xf32>
    %swap3A_603 = arith.constant 0 : i32
    %swap3A_604 = arith.index_cast %swap3A_603 : i32 to index
    %swap3A_605 = arith.constant 112 : index
    %swap3A_606 = tpu.vector_load %arg13[%swap3A_604, %swap3A_605] {strides = array<i32>} : memref<4x128xf32, #tpu.memory_space<vmem>>, vector<1x16xf32>,
    %swap3A_607 = vector.shape_cast %swap3A_606 : vector<1x16xf32> to vector<16xf32>
    %swap3A_608 = vector.shape_cast %div3A_602 : vector<16xf32> to vector<1x16xf32>
    tpu.vector_store %arg13[%swap3A_604, %swap3A_605], %swap3A_608 {strides = array<i32>} : memref<4x128xf32, #tpu.memory_space<vmem>>, vector<1x16xf32>,
    %get3A_609 = arith.constant 1 : i32
    %get3A_610 = arith.index_cast %get3A_609 : i32 to index
    %get3A_611 = arith.constant 0 : index
    %get3A_612 = tpu.vector_load %arg10[%get3A_610, %get3A_611] {strides = array<i32>} : memref<4x128xf32, #tpu.memory_space<vmem>>, vector<1x16xf32>,
    %get3A_613 = vector.shape_cast %get3A_612 : vector<1x16xf32> to vector<16xf32>
    %get3A_614 = arith.constant 1 : i32
    %get3A_615 = arith.index_cast %get3A_614 : i32 to index
    %get3A_616 = arith.constant 0 : index
    %get3A_617 = tpu.vector_load %arg11[%get3A_615, %get3A_616] {strides = array<i32>} : memref<4x128xf32, #tpu.memory_space<vmem>>, vector<1x16xf32>,
    %get3A_618 = vector.shape_cast %get3A_617 : vector<1x16xf32> to vector<16xf32>
    %get3A_619 = arith.constant 1 : i32
    %get3A_620 = arith.index_cast %get3A_619 : i32 to index
    %get3A_621 = arith.constant 0 : index
    %get3A_622 = tpu.vector_load %arg12[%get3A_620, %get3A_621] {strides = array<i32>} : memref<4x128xf32, #tpu.memory_space<vmem>>, vector<1x16xf32>,
    %get3A_623 = vector.shape_cast %get3A_622 : vector<1x16xf32> to vector<16xf32>
    %sub3A_624 = arith.subf %get3A_613, %get3A_623 : vector<16xf32>
    %mul3A_625 = arith.constant 3.400000e+00 : f32
    %mul3A_626 = vector.broadcast %mul3A_625 : f32 to vector<16xf32>
    %mul3A_627 = arith.mulf %mul3A_626, %sub3A_624 : vector<16xf32>
    %neg3A_628 = arith.constant 0.000000e+00 : f32
    %neg3A_629 = vector.broadcast %neg3A_628 : f32 to vector<16xf32>
    %neg3A_630 = arith.subf %neg3A_629, %get3A_618 : vector<16xf32>
    %exp3A_631 = math.exp %neg3A_630 : vector<16xf32>
    %add3A_632 = arith.constant 1.000000e+00 : f32
    %add3A_633 = vector.broadcast %add3A_632 : f32 to vector<16xf32>
    %add3A_634 = arith.addf %add3A_633, %exp3A_631 : vector<16xf32>
    %div3A_635 = arith.divf %mul3A_627, %add3A_634 : vector<16xf32>
    %neg3A_636 = arith.constant 0.000000e+00 : f32
    %neg3A_637 = vector.broadcast %neg3A_636 : f32 to vector<16xf32>
    %neg3A_638 = arith.subf %neg3A_637, %div3A_635 : vector<16xf32>
    %exp3A_639 = math.exp %neg3A_638 : vector<16xf32>
    %add3A_640 = arith.constant 1.000000e+00 : f32
    %add3A_641 = vector.broadcast %add3A_640 : f32 to vector<16xf32>
    %add3A_642 = arith.addf %add3A_641, %exp3A_639 : vector<16xf32>
    %div3A_643 = arith.constant 1.000000e+00 : f32
    %div3A_644 = vector.broadcast %div3A_643 : f32 to vector<16xf32>
    %div3A_645 = arith.divf %div3A_644, %add3A_642 : vector<16xf32>
    %swap3A_646 = arith.constant 1 : i32
    %swap3A_647 = arith.index_cast %swap3A_646 : i32 to index
    %swap3A_648 = arith.constant 0 : index
    %swap3A_649 = tpu.vector_load %arg13[%swap3A_647, %swap3A_648] {strides = array<i32>} : memref<4x128xf32, #tpu.memory_space<vmem>>, vector<1x16xf32>,
    %swap3A_650 = vector.shape_cast %swap3A_649 : vector<1x16xf32> to vector<16xf32>
    %swap3A_651 = vector.shape_cast %div3A_645 : vector<16xf32> to vector<1x16xf32>
    tpu.vector_store %arg13[%swap3A_647, %swap3A_648], %swap3A_651 {strides = array<i32>} : memref<4x128xf32, #tpu.memory_space<vmem>>, vector<1x16xf32>,
    %get3A_652 = arith.constant 1 : i32
    %get3A_653 = arith.index_cast %get3A_652 : i32 to index
    %get3A_654 = arith.constant 16 : index
    %get3A_655 = tpu.vector_load %arg10[%get3A_653, %get3A_654] {strides = array<i32>} : memref<4x128xf32, #tpu.memory_space<vmem>>, vector<1x16xf32>,
    %get3A_656 = vector.shape_cast %get3A_655 : vector<1x16xf32> to vector<16xf32>
    %get3A_657 = arith.constant 1 : i32
    %get3A_658 = arith.index_cast %get3A_657 : i32 to index
    %get3A_659 = arith.constant 16 : index
    %get3A_660 = tpu.vector_load %arg11[%get3A_658, %get3A_659] {strides = array<i32>} : memref<4x128xf32, #tpu.memory_space<vmem>>, vector<1x16xf32>,
    %get3A_661 = vector.shape_cast %get3A_660 : vector<1x16xf32> to vector<16xf32>
    %get3A_662 = arith.constant 1 : i32
    %get3A_663 = arith.index_cast %get3A_662 : i32 to index
    %get3A_664 = arith.constant 16 : index
    %get3A_665 = tpu.vector_load %arg12[%get3A_663, %get3A_664] {strides = array<i32>} : memref<4x128xf32, #tpu.memory_space<vmem>>, vector<1x16xf32>,
    %get3A_666 = vector.shape_cast %get3A_665 : vector<1x16xf32> to vector<16xf32>
    %sub3A_667 = arith.subf %get3A_656, %get3A_666 : vector<16xf32>
    %mul3A_668 = arith.constant 3.400000e+00 : f32
    %mul3A_669 = vector.broadcast %mul3A_668 : f32 to vector<16xf32>
    %mul3A_670 = arith.mulf %mul3A_669, %sub3A_667 : vector<16xf32>
    %neg3A_671 = arith.constant 0.000000e+00 : f32
    %neg3A_672 = vector.broadcast %neg3A_671 : f32 to vector<16xf32>
    %neg3A_673 = arith.subf %neg3A_672, %get3A_661 : vector<16xf32>
    %exp3A_674 = math.exp %neg3A_673 : vector<16xf32>
    %add3A_675 = arith.constant 1.000000e+00 : f32
    %add3A_676 = vector.broadcast %add3A_675 : f32 to vector<16xf32>
    %add3A_677 = arith.addf %add3A_676, %exp3A_674 : vector<16xf32>
    %div3A_678 = arith.divf %mul3A_670, %add3A_677 : vector<16xf32>
    %neg3A_679 = arith.constant 0.000000e+00 : f32
    %neg3A_680 = vector.broadcast %neg3A_679 : f32 to vector<16xf32>
    %neg3A_681 = arith.subf %neg3A_680, %div3A_678 : vector<16xf32>
    %exp3A_682 = math.exp %neg3A_681 : vector<16xf32>
    %add3A_683 = arith.constant 1.000000e+00 : f32
    %add3A_684 = vector.broadcast %add3A_683 : f32 to vector<16xf32>
    %add3A_685 = arith.addf %add3A_684, %exp3A_682 : vector<16xf32>
    %div3A_686 = arith.constant 1.000000e+00 : f32
    %div3A_687 = vector.broadcast %div3A_686 : f32 to vector<16xf32>
    %div3A_688 = arith.divf %div3A_687, %add3A_685 : vector<16xf32>
    %swap3A_689 = arith.constant 1 : i32
    %swap3A_690 = arith.index_cast %swap3A_689 : i32 to index
    %swap3A_691 = arith.constant 16 : index
    %swap3A_692 = tpu.vector_load %arg13[%swap3A_690, %swap3A_691] {strides = array<i32>} : memref<4x128xf32, #tpu.memory_space<vmem>>, vector<1x16xf32>,
    %swap3A_693 = vector.shape_cast %swap3A_692 : vector<1x16xf32> to vector<16xf32>
    %swap3A_694 = vector.shape_cast %div3A_688 : vector<16xf32> to vector<1x16xf32>
    tpu.vector_store %arg13[%swap3A_690, %swap3A_691], %swap3A_694 {strides = array<i32>} : memref<4x128xf32, #tpu.memory_space<vmem>>, vector<1x16xf32>,
    %get3A_695 = arith.constant 1 : i32
    %get3A_696 = arith.index_cast %get3A_695 : i32 to index
    %get3A_697 = arith.constant 32 : index
    %get3A_698 = tpu.vector_load %arg10[%get3A_696, %get3A_697] {strides = array<i32>} : memref<4x128xf32, #tpu.memory_space<vmem>>, vector<1x16xf32>,
    %get3A_699 = vector.shape_cast %get3A_698 : vector<1x16xf32> to vector<16xf32>
    %get3A_700 = arith.constant 1 : i32
    %get3A_701 = arith.index_cast %get3A_700 : i32 to index
    %get3A_702 = arith.constant 32 : index
    %get3A_703 = tpu.vector_load %arg11[%get3A_701, %get3A_702] {strides = array<i32>} : memref<4x128xf32, #tpu.memory_space<vmem>>, vector<1x16xf32>,
    %get3A_704 = vector.shape_cast %get3A_703 : vector<1x16xf32> to vector<16xf32>
    %get3A_705 = arith.constant 1 : i32
    %get3A_706 = arith.index_cast %get3A_705 : i32 to index
    %get3A_707 = arith.constant 32 : index
    %get3A_708 = tpu.vector_load %arg12[%get3A_706, %get3A_707] {strides = array<i32>} : memref<4x128xf32, #tpu.memory_space<vmem>>, vector<1x16xf32>,
    %get3A_709 = vector.shape_cast %get3A_708 : vector<1x16xf32> to vector<16xf32>
    %sub3A_710 = arith.subf %get3A_699, %get3A_709 : vector<16xf32>
    %mul3A_711 = arith.constant 3.400000e+00 : f32
    %mul3A_712 = vector.broadcast %mul3A_711 : f32 to vector<16xf32>
    %mul3A_713 = arith.mulf %mul3A_712, %sub3A_710 : vector<16xf32>
    %neg3A_714 = arith.constant 0.000000e+00 : f32
    %neg3A_715 = vector.broadcast %neg3A_714 : f32 to vector<16xf32>
    %neg3A_716 = arith.subf %neg3A_715, %get3A_704 : vector<16xf32>
    %exp3A_717 = math.exp %neg3A_716 : vector<16xf32>
    %add3A_718 = arith.constant 1.000000e+00 : f32
    %add3A_719 = vector.broadcast %add3A_718 : f32 to vector<16xf32>
    %add3A_720 = arith.addf %add3A_719, %exp3A_717 : vector<16xf32>
    %div3A_721 = arith.divf %mul3A_713, %add3A_720 : vector<16xf32>
    %neg3A_722 = arith.constant 0.000000e+00 : f32
    %neg3A_723 = vector.broadcast %neg3A_722 : f32 to vector<16xf32>
    %neg3A_724 = arith.subf %neg3A_723, %div3A_721 : vector<16xf32>
    %exp3A_725 = math.exp %neg3A_724 : vector<16xf32>
    %add3A_726 = arith.constant 1.000000e+00 : f32
    %add3A_727 = vector.broadcast %add3A_726 : f32 to vector<16xf32>
    %add3A_728 = arith.addf %add3A_727, %exp3A_725 : vector<16xf32>
    %div3A_729 = arith.constant 1.000000e+00 : f32
    %div3A_730 = vector.broadcast %div3A_729 : f32 to vector<16xf32>
    %div3A_731 = arith.divf %div3A_730, %add3A_728 : vector<16xf32>
    %swap3A_732 = arith.constant 1 : i32
    %swap3A_733 = arith.index_cast %swap3A_732 : i32 to index
    %swap3A_734 = arith.constant 32 : index
    %swap3A_735 = tpu.vector_load %arg13[%swap3A_733, %swap3A_734] {strides = array<i32>} : memref<4x128xf32, #tpu.memory_space<vmem>>, vector<1x16xf32>,
    %swap3A_736 = vector.shape_cast %swap3A_735 : vector<1x16xf32> to vector<16xf32>
    %swap3A_737 = vector.shape_cast %div3A_731 : vector<16xf32> to vector<1x16xf32>
    tpu.vector_store %arg13[%swap3A_733, %swap3A_734], %swap3A_737 {strides = array<i32>} : memref<4x128xf32, #tpu.memory_space<vmem>>, vector<1x16xf32>,
    %get3A_738 = arith.constant 1 : i32
    %get3A_739 = arith.index_cast %get3A_738 : i32 to index
    %get3A_740 = arith.constant 48 : index
    %get3A_741 = tpu.vector_load %arg10[%get3A_739, %get3A_740] {strides = array<i32>} : memref<4x128xf32, #tpu.memory_space<vmem>>, vector<1x16xf32>,
    %get3A_742 = vector.shape_cast %get3A_741 : vector<1x16xf32> to vector<16xf32>
    %get3A_743 = arith.constant 1 : i32
    %get3A_744 = arith.index_cast %get3A_743 : i32 to index
    %get3A_745 = arith.constant 48 : index
    %get3A_746 = tpu.vector_load %arg11[%get3A_744, %get3A_745] {strides = array<i32>} : memref<4x128xf32, #tpu.memory_space<vmem>>, vector<1x16xf32>,
    %get3A_747 = vector.shape_cast %get3A_746 : vector<1x16xf32> to vector<16xf32>
    %get3A_748 = arith.constant 1 : i32
    %get3A_749 = arith.index_cast %get3A_748 : i32 to index
    %get3A_750 = arith.constant 48 : index
    %get3A_751 = tpu.vector_load %arg12[%get3A_749, %get3A_750] {strides = array<i32>} : memref<4x128xf32, #tpu.memory_space<vmem>>, vector<1x16xf32>,
    %get3A_752 = vector.shape_cast %get3A_751 : vector<1x16xf32> to vector<16xf32>
    %sub3A_753 = arith.subf %get3A_742, %get3A_752 : vector<16xf32>
    %mul3A_754 = arith.constant 3.400000e+00 : f32
    %mul3A_755 = vector.broadcast %mul3A_754 : f32 to vector<16xf32>
    %mul3A_756 = arith.mulf %mul3A_755, %sub3A_753 : vector<16xf32>
    %neg3A_757 = arith.constant 0.000000e+00 : f32
    %neg3A_758 = vector.broadcast %neg3A_757 : f32 to vector<16xf32>
    %neg3A_759 = arith.subf %neg3A_758, %get3A_747 : vector<16xf32>
    %exp3A_760 = math.exp %neg3A_759 : vector<16xf32>
    %add3A_761 = arith.constant 1.000000e+00 : f32
    %add3A_762 = vector.broadcast %add3A_761 : f32 to vector<16xf32>
    %add3A_763 = arith.addf %add3A_762, %exp3A_760 : vector<16xf32>
    %div3A_764 = arith.divf %mul3A_756, %add3A_763 : vector<16xf32>
    %neg3A_765 = arith.constant 0.000000e+00 : f32
    %neg3A_766 = vector.broadcast %neg3A_765 : f32 to vector<16xf32>
    %neg3A_767 = arith.subf %neg3A_766, %div3A_764 : vector<16xf32>
    %exp3A_768 = math.exp %neg3A_767 : vector<16xf32>
    %add3A_769 = arith.constant 1.000000e+00 : f32
    %add3A_770 = vector.broadcast %add3A_769 : f32 to vector<16xf32>
    %add3A_771 = arith.addf %add3A_770, %exp3A_768 : vector<16xf32>
    %div3A_772 = arith.constant 1.000000e+00 : f32
    %div3A_773 = vector.broadcast %div3A_772 : f32 to vector<16xf32>
    %div3A_774 = arith.divf %div3A_773, %add3A_771 : vector<16xf32>
    %swap3A_775 = arith.constant 1 : i32
    %swap3A_776 = arith.index_cast %swap3A_775 : i32 to index
    %swap3A_777 = arith.constant 48 : index
    %swap3A_778 = tpu.vector_load %arg13[%swap3A_776, %swap3A_777] {strides = array<i32>} : memref<4x128xf32, #tpu.memory_space<vmem>>, vector<1x16xf32>,
    %swap3A_779 = vector.shape_cast %swap3A_778 : vector<1x16xf32> to vector<16xf32>
    %swap3A_780 = vector.shape_cast %div3A_774 : vector<16xf32> to vector<1x16xf32>
    tpu.vector_store %arg13[%swap3A_776, %swap3A_777], %swap3A_780 {strides = array<i32>} : memref<4x128xf32, #tpu.memory_space<vmem>>, vector<1x16xf32>,
    %get3A_781 = arith.constant 1 : i32
    %get3A_782 = arith.index_cast %get3A_781 : i32 to index
    %get3A_783 = arith.constant 64 : index
    %get3A_784 = tpu.vector_load %arg10[%get3A_782, %get3A_783] {strides = array<i32>} : memref<4x128xf32, #tpu.memory_space<vmem>>, vector<1x16xf32>,
    %get3A_785 = vector.shape_cast %get3A_784 : vector<1x16xf32> to vector<16xf32>
    %get3A_786 = arith.constant 1 : i32
    %get3A_787 = arith.index_cast %get3A_786 : i32 to index
    %get3A_788 = arith.constant 64 : index
    %get3A_789 = tpu.vector_load %arg11[%get3A_787, %get3A_788] {strides = array<i32>} : memref<4x128xf32, #tpu.memory_space<vmem>>, vector<1x16xf32>,
    %get3A_790 = vector.shape_cast %get3A_789 : vector<1x16xf32> to vector<16xf32>
    %get3A_791 = arith.constant 1 : i32
    %get3A_792 = arith.index_cast %get3A_791 : i32 to index
    %get3A_793 = arith.constant 64 : index
    %get3A_794 = tpu.vector_load %arg12[%get3A_792, %get3A_793] {strides = array<i32>} : memref<4x128xf32, #tpu.memory_space<vmem>>, vector<1x16xf32>,
    %get3A_795 = vector.shape_cast %get3A_794 : vector<1x16xf32> to vector<16xf32>
    %sub3A_796 = arith.subf %get3A_785, %get3A_795 : vector<16xf32>
    %mul3A_797 = arith.constant 3.400000e+00 : f32
    %mul3A_798 = vector.broadcast %mul3A_797 : f32 to vector<16xf32>
    %mul3A_799 = arith.mulf %mul3A_798, %sub3A_796 : vector<16xf32>
    %neg3A_800 = arith.constant 0.000000e+00 : f32
    %neg3A_801 = vector.broadcast %neg3A_800 : f32 to vector<16xf32>
    %neg3A_802 = arith.subf %neg3A_801, %get3A_790 : vector<16xf32>
    %exp3A_803 = math.exp %neg3A_802 : vector<16xf32>
    %add3A_804 = arith.constant 1.000000e+00 : f32
    %add3A_805 = vector.broadcast %add3A_804 : f32 to vector<16xf32>
    %add3A_806 = arith.addf %add3A_805, %exp3A_803 : vector<16xf32>
    %div3A_807 = arith.divf %mul3A_799, %add3A_806 : vector<16xf32>
    %neg3A_808 = arith.constant 0.000000e+00 : f32
    %neg3A_809 = vector.broadcast %neg3A_808 : f32 to vector<16xf32>
    %neg3A_810 = arith.subf %neg3A_809, %div3A_807 : vector<16xf32>
    %exp3A_811 = math.exp %neg3A_810 : vector<16xf32>
    %add3A_812 = arith.constant 1.000000e+00 : f32
    %add3A_813 = vector.broadcast %add3A_812 : f32 to vector<16xf32>
    %add3A_814 = arith.addf %add3A_813, %exp3A_811 : vector<16xf32>
    %div3A_815 = arith.constant 1.000000e+00 : f32
    %div3A_816 = vector.broadcast %div3A_815 : f32 to vector<16xf32>
    %div3A_817 = arith.divf %div3A_816, %add3A_814 : vector<16xf32>
    %swap3A_818 = arith.constant 1 : i32
    %swap3A_819 = arith.index_cast %swap3A_818 : i32 to index
    %swap3A_820 = arith.constant 64 : index
    %swap3A_821 = tpu.vector_load %arg13[%swap3A_819, %swap3A_820] {strides = array<i32>} : memref<4x128xf32, #tpu.memory_space<vmem>>, vector<1x16xf32>,
    %swap3A_822 = vector.shape_cast %swap3A_821 : vector<1x16xf32> to vector<16xf32>
    %swap3A_823 = vector.shape_cast %div3A_817 : vector<16xf32> to vector<1x16xf32>
    tpu.vector_store %arg13[%swap3A_819, %swap3A_820], %swap3A_823 {strides = array<i32>} : memref<4x128xf32, #tpu.memory_space<vmem>>, vector<1x16xf32>,
    %get3A_824 = arith.constant 1 : i32
    %get3A_825 = arith.index_cast %get3A_824 : i32 to index
    %get3A_826 = arith.constant 80 : index
    %get3A_827 = tpu.vector_load %arg10[%get3A_825, %get3A_826] {strides = array<i32>} : memref<4x128xf32, #tpu.memory_space<vmem>>, vector<1x16xf32>,
    %get3A_828 = vector.shape_cast %get3A_827 : vector<1x16xf32> to vector<16xf32>
    %get3A_829 = arith.constant 1 : i32
    %get3A_830 = arith.index_cast %get3A_829 : i32 to index
    %get3A_831 = arith.constant 80 : index
    %get3A_832 = tpu.vector_load %arg11[%get3A_830, %get3A_831] {strides = array<i32>} : memref<4x128xf32, #tpu.memory_space<vmem>>, vector<1x16xf32>,
    %get3A_833 = vector.shape_cast %get3A_832 : vector<1x16xf32> to vector<16xf32>
    %get3A_834 = arith.constant 1 : i32
    %get3A_835 = arith.index_cast %get3A_834 : i32 to index
    %get3A_836 = arith.constant 80 : index
    %get3A_837 = tpu.vector_load %arg12[%get3A_835, %get3A_836] {strides = array<i32>} : memref<4x128xf32, #tpu.memory_space<vmem>>, vector<1x16xf32>,
    %get3A_838 = vector.shape_cast %get3A_837 : vector<1x16xf32> to vector<16xf32>
    %sub3A_839 = arith.subf %get3A_828, %get3A_838 : vector<16xf32>
    %mul3A_840 = arith.constant 3.400000e+00 : f32
    %mul3A_841 = vector.broadcast %mul3A_840 : f32 to vector<16xf32>
    %mul3A_842 = arith.mulf %mul3A_841, %sub3A_839 : vector<16xf32>
    %neg3A_843 = arith.constant 0.000000e+00 : f32
    %neg3A_844 = vector.broadcast %neg3A_843 : f32 to vector<16xf32>
    %neg3A_845 = arith.subf %neg3A_844, %get3A_833 : vector<16xf32>
    %exp3A_846 = math.exp %neg3A_845 : vector<16xf32>
    %add3A_847 = arith.constant 1.000000e+00 : f32
    %add3A_848 = vector.broadcast %add3A_847 : f32 to vector<16xf32>
    %add3A_849 = arith.addf %add3A_848, %exp3A_846 : vector<16xf32>
    %div3A_850 = arith.divf %mul3A_842, %add3A_849 : vector<16xf32>
    %neg3A_851 = arith.constant 0.000000e+00 : f32
    %neg3A_852 = vector.broadcast %neg3A_851 : f32 to vector<16xf32>
    %neg3A_853 = arith.subf %neg3A_852, %div3A_850 : vector<16xf32>
    %exp3A_854 = math.exp %neg3A_853 : vector<16xf32>
    %add3A_855 = arith.constant 1.000000e+00 : f32
    %add3A_856 = vector.broadcast %add3A_855 : f32 to vector<16xf32>
    %add3A_857 = arith.addf %add3A_856, %exp3A_854 : vector<16xf32>
    %div3A_858 = arith.constant 1.000000e+00 : f32
    %div3A_859 = vector.broadcast %div3A_858 : f32 to vector<16xf32>
    %div3A_860 = arith.divf %div3A_859, %add3A_857 : vector<16xf32>
    %swap3A_861 = arith.constant 1 : i32
    %swap3A_862 = arith.index_cast %swap3A_861 : i32 to index
    %swap3A_863 = arith.constant 80 : index
    %swap3A_864 = tpu.vector_load %arg13[%swap3A_862, %swap3A_863] {strides = array<i32>} : memref<4x128xf32, #tpu.memory_space<vmem>>, vector<1x16xf32>,
    %swap3A_865 = vector.shape_cast %swap3A_864 : vector<1x16xf32> to vector<16xf32>
    %swap3A_866 = vector.shape_cast %div3A_860 : vector<16xf32> to vector<1x16xf32>
    tpu.vector_store %arg13[%swap3A_862, %swap3A_863], %swap3A_866 {strides = array<i32>} : memref<4x128xf32, #tpu.memory_space<vmem>>, vector<1x16xf32>,
    %get3A_867 = arith.constant 1 : i32
    %get3A_868 = arith.index_cast %get3A_867 : i32 to index
    %get3A_869 = arith.constant 96 : index
    %get3A_870 = tpu.vector_load %arg10[%get3A_868, %get3A_869] {strides = array<i32>} : memref<4x128xf32, #tpu.memory_space<vmem>>, vector<1x16xf32>,
    %get3A_871 = vector.shape_cast %get3A_870 : vector<1x16xf32> to vector<16xf32>
    %get3A_872 = arith.constant 1 : i32
    %get3A_873 = arith.index_cast %get3A_872 : i32 to index
    %get3A_874 = arith.constant 96 : index
    %get3A_875 = tpu.vector_load %arg11[%get3A_873, %get3A_874] {strides = array<i32>} : memref<4x128xf32, #tpu.memory_space<vmem>>, vector<1x16xf32>,
    %get3A_876 = vector.shape_cast %get3A_875 : vector<1x16xf32> to vector<16xf32>
    %get3A_877 = arith.constant 1 : i32
    %get3A_878 = arith.index_cast %get3A_877 : i32 to index
    %get3A_879 = arith.constant 96 : index
    %get3A_880 = tpu.vector_load %arg12[%get3A_878, %get3A_879] {strides = array<i32>} : memref<4x128xf32, #tpu.memory_space<vmem>>, vector<1x16xf32>,
    %get3A_881 = vector.shape_cast %get3A_880 : vector<1x16xf32> to vector<16xf32>
    %sub3A_882 = arith.subf %get3A_871, %get3A_881 : vector<16xf32>
    %mul3A_883 = arith.constant 3.400000e+00 : f32
    %mul3A_884 = vector.broadcast %mul3A_883 : f32 to vector<16xf32>
    %mul3A_885 = arith.mulf %mul3A_884, %sub3A_882 : vector<16xf32>
    %neg3A_886 = arith.constant 0.000000e+00 : f32
    %neg3A_887 = vector.broadcast %neg3A_886 : f32 to vector<16xf32>
    %neg3A_888 = arith.subf %neg3A_887, %get3A_876 : vector<16xf32>
    %exp3A_889 = math.exp %neg3A_888 : vector<16xf32>
    %add3A_890 = arith.constant 1.000000e+00 : f32
    %add3A_891 = vector.broadcast %add3A_890 : f32 to vector<16xf32>
    %add3A_892 = arith.addf %add3A_891, %exp3A_889 : vector<16xf32>
    %div3A_893 = arith.divf %mul3A_885, %add3A_892 : vector<16xf32>
    %neg3A_894 = arith.constant 0.000000e+00 : f32
    %neg3A_895 = vector.broadcast %neg3A_894 : f32 to vector<16xf32>
    %neg3A_896 = arith.subf %neg3A_895, %div3A_893 : vector<16xf32>
    %exp3A_897 = math.exp %neg3A_896 : vector<16xf32>
    %add3A_898 = arith.constant 1.000000e+00 : f32
    %add3A_899 = vector.broadcast %add3A_898 : f32 to vector<16xf32>
    %add3A_900 = arith.addf %add3A_899, %exp3A_897 : vector<16xf32>
    %div3A_901 = arith.constant 1.000000e+00 : f32
    %div3A_902 = vector.broadcast %div3A_901 : f32 to vector<16xf32>
    %div3A_903 = arith.divf %div3A_902, %add3A_900 : vector<16xf32>
    %swap3A_904 = arith.constant 1 : i32
    %swap3A_905 = arith.index_cast %swap3A_904 : i32 to index
    %swap3A_906 = arith.constant 96 : index
    %swap3A_907 = tpu.vector_load %arg13[%swap3A_905, %swap3A_906] {strides = array<i32>} : memref<4x128xf32, #tpu.memory_space<vmem>>, vector<1x16xf32>,
    %swap3A_908 = vector.shape_cast %swap3A_907 : vector<1x16xf32> to vector<16xf32>
    %swap3A_909 = vector.shape_cast %div3A_903 : vector<16xf32> to vector<1x16xf32>
    tpu.vector_store %arg13[%swap3A_905, %swap3A_906], %swap3A_909 {strides = array<i32>} : memref<4x128xf32, #tpu.memory_space<vmem>>, vector<1x16xf32>,
    %get3A_910 = arith.constant 1 : i32
    %get3A_911 = arith.index_cast %get3A_910 : i32 to index
    %get3A_912 = arith.constant 112 : index
    %get3A_913 = tpu.vector_load %arg10[%get3A_911, %get3A_912] {strides = array<i32>} : memref<4x128xf32, #tpu.memory_space<vmem>>, vector<1x16xf32>,
    %get3A_914 = vector.shape_cast %get3A_913 : vector<1x16xf32> to vector<16xf32>
    %get3A_915 = arith.constant 1 : i32
    %get3A_916 = arith.index_cast %get3A_915 : i32 to index
    %get3A_917 = arith.constant 112 : index
    %get3A_918 = tpu.vector_load %arg11[%get3A_916, %get3A_917] {strides = array<i32>} : memref<4x128xf32, #tpu.memory_space<vmem>>, vector<1x16xf32>,
    %get3A_919 = vector.shape_cast %get3A_918 : vector<1x16xf32> to vector<16xf32>
    %get3A_920 = arith.constant 1 : i32
    %get3A_921 = arith.index_cast %get3A_920 : i32 to index
    %get3A_922 = arith.constant 112 : index
    %get3A_923 = tpu.vector_load %arg12[%get3A_921, %get3A_922] {strides = array<i32>} : memref<4x128xf32, #tpu.memory_space<vmem>>, vector<1x16xf32>,
    %get3A_924 = vector.shape_cast %get3A_923 : vector<1x16xf32> to vector<16xf32>
    %sub3A_925 = arith.subf %get3A_914, %get3A_924 : vector<16xf32>
    %mul3A_926 = arith.constant 3.400000e+00 : f32
    %mul3A_927 = vector.broadcast %mul3A_926 : f32 to vector<16xf32>
    %mul3A_928 = arith.mulf %mul3A_927, %sub3A_925 : vector<16xf32>
    %neg3A_929 = arith.constant 0.000000e+00 : f32
    %neg3A_930 = vector.broadcast %neg3A_929 : f32 to vector<16xf32>
    %neg3A_931 = arith.subf %neg3A_930, %get3A_919 : vector<16xf32>
    %exp3A_932 = math.exp %neg3A_931 : vector<16xf32>
    %add3A_933 = arith.constant 1.000000e+00 : f32
    %add3A_934 = vector.broadcast %add3A_933 : f32 to vector<16xf32>
    %add3A_935 = arith.addf %add3A_934, %exp3A_932 : vector<16xf32>
    %div3A_936 = arith.divf %mul3A_928, %add3A_935 : vector<16xf32>
    %neg3A_937 = arith.constant 0.000000e+00 : f32
    %neg3A_938 = vector.broadcast %neg3A_937 : f32 to vector<16xf32>
    %neg3A_939 = arith.subf %neg3A_938, %div3A_936 : vector<16xf32>
    %exp3A_940 = math.exp %neg3A_939 : vector<16xf32>
    %add3A_941 = arith.constant 1.000000e+00 : f32
    %add3A_942 = vector.broadcast %add3A_941 : f32 to vector<16xf32>
    %add3A_943 = arith.addf %add3A_942, %exp3A_940 : vector<16xf32>
    %div3A_944 = arith.constant 1.000000e+00 : f32
    %div3A_945 = vector.broadcast %div3A_944 : f32 to vector<16xf32>
    %div3A_946 = arith.divf %div3A_945, %add3A_943 : vector<16xf32>
    %swap3A_947 = arith.constant 1 : i32
    %swap3A_948 = arith.index_cast %swap3A_947 : i32 to index
    %swap3A_949 = arith.constant 112 : index
    %swap3A_950 = tpu.vector_load %arg13[%swap3A_948, %swap3A_949] {strides = array<i32>} : memref<4x128xf32, #tpu.memory_space<vmem>>, vector<1x16xf32>,
    %swap3A_951 = vector.shape_cast %swap3A_950 : vector<1x16xf32> to vector<16xf32>
    %swap3A_952 = vector.shape_cast %div3A_946 : vector<16xf32> to vector<1x16xf32>
    tpu.vector_store %arg13[%swap3A_948, %swap3A_949], %swap3A_952 {strides = array<i32>} : memref<4x128xf32, #tpu.memory_space<vmem>>, vector<1x16xf32>,
    %get3A_953 = arith.constant 2 : i32
    %get3A_954 = arith.index_cast %get3A_953 : i32 to index
    %get3A_955 = arith.constant 0 : index
    %get3A_956 = tpu.vector_load %arg10[%get3A_954, %get3A_955] {strides = array<i32>} : memref<4x128xf32, #tpu.memory_space<vmem>>, vector<1x16xf32>,
    %get3A_957 = vector.shape_cast %get3A_956 : vector<1x16xf32> to vector<16xf32>
    %get3A_958 = arith.constant 2 : i32
    %get3A_959 = arith.index_cast %get3A_958 : i32 to index
    %get3A_960 = arith.constant 0 : index
    %get3A_961 = tpu.vector_load %arg11[%get3A_959, %get3A_960] {strides = array<i32>} : memref<4x128xf32, #tpu.memory_space<vmem>>, vector<1x16xf32>,
    %get3A_962 = vector.shape_cast %get3A_961 : vector<1x16xf32> to vector<16xf32>
    %get3A_963 = arith.constant 2 : i32
    %get3A_964 = arith.index_cast %get3A_963 : i32 to index
    %get3A_965 = arith.constant 0 : index
    %get3A_966 = tpu.vector_load %arg12[%get3A_964, %get3A_965] {strides = array<i32>} : memref<4x128xf32, #tpu.memory_space<vmem>>, vector<1x16xf32>,
    %get3A_967 = vector.shape_cast %get3A_966 : vector<1x16xf32> to vector<16xf32>
    %sub3A_968 = arith.subf %get3A_957, %get3A_967 : vector<16xf32>
    %mul3A_969 = arith.constant 3.400000e+00 : f32
    %mul3A_970 = vector.broadcast %mul3A_969 : f32 to vector<16xf32>
    %mul3A_971 = arith.mulf %mul3A_970, %sub3A_968 : vector<16xf32>
    %neg3A_972 = arith.constant 0.000000e+00 : f32
    %neg3A_973 = vector.broadcast %neg3A_972 : f32 to vector<16xf32>
    %neg3A_974 = arith.subf %neg3A_973, %get3A_962 : vector<16xf32>
    %exp3A_975 = math.exp %neg3A_974 : vector<16xf32>
    %add3A_976 = arith.constant 1.000000e+00 : f32
    %add3A_977 = vector.broadcast %add3A_976 : f32 to vector<16xf32>
    %add3A_978 = arith.addf %add3A_977, %exp3A_975 : vector<16xf32>
    %div3A_979 = arith.divf %mul3A_971, %add3A_978 : vector<16xf32>
    %neg3A_980 = arith.constant 0.000000e+00 : f32
    %neg3A_981 = vector.broadcast %neg3A_980 : f32 to vector<16xf32>
    %neg3A_982 = arith.subf %neg3A_981, %div3A_979 : vector<16xf32>
    %exp3A_983 = math.exp %neg3A_982 : vector<16xf32>
    %add3A_984 = arith.constant 1.000000e+00 : f32
    %add3A_985 = vector.broadcast %add3A_984 : f32 to vector<16xf32>
    %add3A_986 = arith.addf %add3A_985, %exp3A_983 : vector<16xf32>
    %div3A_987 = arith.constant 1.000000e+00 : f32
    %div3A_988 = vector.broadcast %div3A_987 : f32 to vector<16xf32>
    %div3A_989 = arith.divf %div3A_988, %add3A_986 : vector<16xf32>
    %swap3A_990 = arith.constant 2 : i32
    %swap3A_991 = arith.index_cast %swap3A_990 : i32 to index
    %swap3A_992 = arith.constant 0 : index
    %swap3A_993 = tpu.vector_load %arg13[%swap3A_991, %swap3A_992] {strides = array<i32>} : memref<4x128xf32, #tpu.memory_space<vmem>>, vector<1x16xf32>,
    %swap3A_994 = vector.shape_cast %swap3A_993 : vector<1x16xf32> to vector<16xf32>
    %swap3A_995 = vector.shape_cast %div3A_989 : vector<16xf32> to vector<1x16xf32>
    tpu.vector_store %arg13[%swap3A_991, %swap3A_992], %swap3A_995 {strides = array<i32>} : memref<4x128xf32, #tpu.memory_space<vmem>>, vector<1x16xf32>,
    %get3A_996 = arith.constant 2 : i32
    %get3A_997 = arith.index_cast %get3A_996 : i32 to index
    %get3A_998 = arith.constant 16 : index
    %get3A_999 = tpu.vector_load %arg10[%get3A_997, %get3A_998] {strides = array<i32>} : memref<4x128xf32, #tpu.memory_space<vmem>>, vector<1x16xf32>,
    %get3A_1000 = vector.shape_cast %get3A_999 : vector<1x16xf32> to vector<16xf32>
    %get3A_1001 = arith.constant 2 : i32
    %get3A_1002 = arith.index_cast %get3A_1001 : i32 to index
    %get3A_1003 = arith.constant 16 : index
    %get3A_1004 = tpu.vector_load %arg11[%get3A_1002, %get3A_1003] {strides = array<i32>} : memref<4x128xf32, #tpu.memory_space<vmem>>, vector<1x16xf32>,
    %get3A_1005 = vector.shape_cast %get3A_1004 : vector<1x16xf32> to vector<16xf32>
    %get3A_1006 = arith.constant 2 : i32
    %get3A_1007 = arith.index_cast %get3A_1006 : i32 to index
    %get3A_1008 = arith.constant 16 : index
    %get3A_1009 = tpu.vector_load %arg12[%get3A_1007, %get3A_1008] {strides = array<i32>} : memref<4x128xf32, #tpu.memory_space<vmem>>, vector<1x16xf32>,
    %get3A_1010 = vector.shape_cast %get3A_1009 : vector<1x16xf32> to vector<16xf32>
    %sub3A_1011 = arith.subf %get3A_1000, %get3A_1010 : vector<16xf32>
    %mul3A_1012 = arith.constant 3.400000e+00 : f32
    %mul3A_1013 = vector.broadcast %mul3A_1012 : f32 to vector<16xf32>
    %mul3A_1014 = arith.mulf %mul3A_1013, %sub3A_1011 : vector<16xf32>
    %neg3A_1015 = arith.constant 0.000000e+00 : f32
    %neg3A_1016 = vector.broadcast %neg3A_1015 : f32 to vector<16xf32>
    %neg3A_1017 = arith.subf %neg3A_1016, %get3A_1005 : vector<16xf32>
    %exp3A_1018 = math.exp %neg3A_1017 : vector<16xf32>
    %add3A_1019 = arith.constant 1.000000e+00 : f32
    %add3A_1020 = vector.broadcast %add3A_1019 : f32 to vector<16xf32>
    %add3A_1021 = arith.addf %add3A_1020, %exp3A_1018 : vector<16xf32>
    %div3A_1022 = arith.divf %mul3A_1014, %add3A_1021 : vector<16xf32>
    %neg3A_1023 = arith.constant 0.000000e+00 : f32
    %neg3A_1024 = vector.broadcast %neg3A_1023 : f32 to vector<16xf32>
    %neg3A_1025 = arith.subf %neg3A_1024, %div3A_1022 : vector<16xf32>
    %exp3A_1026 = math.exp %neg3A_1025 : vector<16xf32>
    %add3A_1027 = arith.constant 1.000000e+00 : f32
    %add3A_1028 = vector.broadcast %add3A_1027 : f32 to vector<16xf32>
    %add3A_1029 = arith.addf %add3A_1028, %exp3A_1026 : vector<16xf32>
    %div3A_1030 = arith.constant 1.000000e+00 : f32
    %div3A_1031 = vector.broadcast %div3A_1030 : f32 to vector<16xf32>
    %div3A_1032 = arith.divf %div3A_1031, %add3A_1029 : vector<16xf32>
    %swap3A_1033 = arith.constant 2 : i32
    %swap3A_1034 = arith.index_cast %swap3A_1033 : i32 to index
    %swap3A_1035 = arith.constant 16 : index
    %swap3A_1036 = tpu.vector_load %arg13[%swap3A_1034, %swap3A_1035] {strides = array<i32>} : memref<4x128xf32, #tpu.memory_space<vmem>>, vector<1x16xf32>,
    %swap3A_1037 = vector.shape_cast %swap3A_1036 : vector<1x16xf32> to vector<16xf32>
    %swap3A_1038 = vector.shape_cast %div3A_1032 : vector<16xf32> to vector<1x16xf32>
    tpu.vector_store %arg13[%swap3A_1034, %swap3A_1035], %swap3A_1038 {strides = array<i32>} : memref<4x128xf32, #tpu.memory_space<vmem>>, vector<1x16xf32>,
    %get3A_1039 = arith.constant 2 : i32
    %get3A_1040 = arith.index_cast %get3A_1039 : i32 to index
    %get3A_1041 = arith.constant 32 : index
    %get3A_1042 = tpu.vector_load %arg10[%get3A_1040, %get3A_1041] {strides = array<i32>} : memref<4x128xf32, #tpu.memory_space<vmem>>, vector<1x16xf32>,
    %get3A_1043 = vector.shape_cast %get3A_1042 : vector<1x16xf32> to vector<16xf32>
    %get3A_1044 = arith.constant 2 : i32
    %get3A_1045 = arith.index_cast %get3A_1044 : i32 to index
    %get3A_1046 = arith.constant 32 : index
    %get3A_1047 = tpu.vector_load %arg11[%get3A_1045, %get3A_1046] {strides = array<i32>} : memref<4x128xf32, #tpu.memory_space<vmem>>, vector<1x16xf32>,
    %get3A_1048 = vector.shape_cast %get3A_1047 : vector<1x16xf32> to vector<16xf32>
    %get3A_1049 = arith.constant 2 : i32
    %get3A_1050 = arith.index_cast %get3A_1049 : i32 to index
    %get3A_1051 = arith.constant 32 : index
    %get3A_1052 = tpu.vector_load %arg12[%get3A_1050, %get3A_1051] {strides = array<i32>} : memref<4x128xf32, #tpu.memory_space<vmem>>, vector<1x16xf32>,
    %get3A_1053 = vector.shape_cast %get3A_1052 : vector<1x16xf32> to vector<16xf32>
    %sub3A_1054 = arith.subf %get3A_1043, %get3A_1053 : vector<16xf32>
    %mul3A_1055 = arith.constant 3.400000e+00 : f32
    %mul3A_1056 = vector.broadcast %mul3A_1055 : f32 to vector<16xf32>
    %mul3A_1057 = arith.mulf %mul3A_1056, %sub3A_1054 : vector<16xf32>
    %neg3A_1058 = arith.constant 0.000000e+00 : f32
    %neg3A_1059 = vector.broadcast %neg3A_1058 : f32 to vector<16xf32>
    %neg3A_1060 = arith.subf %neg3A_1059, %get3A_1048 : vector<16xf32>
    %exp3A_1061 = math.exp %neg3A_1060 : vector<16xf32>
    %add3A_1062 = arith.constant 1.000000e+00 : f32
    %add3A_1063 = vector.broadcast %add3A_1062 : f32 to vector<16xf32>
    %add3A_1064 = arith.addf %add3A_1063, %exp3A_1061 : vector<16xf32>
    %div3A_1065 = arith.divf %mul3A_1057, %add3A_1064 : vector<16xf32>
    %neg3A_1066 = arith.constant 0.000000e+00 : f32
    %neg3A_1067 = vector.broadcast %neg3A_1066 : f32 to vector<16xf32>
    %neg3A_1068 = arith.subf %neg3A_1067, %div3A_1065 : vector<16xf32>
    %exp3A_1069 = math.exp %neg3A_1068 : vector<16xf32>
    %add3A_1070 = arith.constant 1.000000e+00 : f32
    %add3A_1071 = vector.broadcast %add3A_1070 : f32 to vector<16xf32>
    %add3A_1072 = arith.addf %add3A_1071, %exp3A_1069 : vector<16xf32>
    %div3A_1073 = arith.constant 1.000000e+00 : f32
    %div3A_1074 = vector.broadcast %div3A_1073 : f32 to vector<16xf32>
    %div3A_1075 = arith.divf %div3A_1074, %add3A_1072 : vector<16xf32>
    %swap3A_1076 = arith.constant 2 : i32
    %swap3A_1077 = arith.index_cast %swap3A_1076 : i32 to index
    %swap3A_1078 = arith.constant 32 : index
    %swap3A_1079 = tpu.vector_load %arg13[%swap3A_1077, %swap3A_1078] {strides = array<i32>} : memref<4x128xf32, #tpu.memory_space<vmem>>, vector<1x16xf32>,
    %swap3A_1080 = vector.shape_cast %swap3A_1079 : vector<1x16xf32> to vector<16xf32>
    %swap3A_1081 = vector.shape_cast %div3A_1075 : vector<16xf32> to vector<1x16xf32>
    tpu.vector_store %arg13[%swap3A_1077, %swap3A_1078], %swap3A_1081 {strides = array<i32>} : memref<4x128xf32, #tpu.memory_space<vmem>>, vector<1x16xf32>,
    %get3A_1082 = arith.constant 2 : i32
    %get3A_1083 = arith.index_cast %get3A_1082 : i32 to index
    %get3A_1084 = arith.constant 48 : index
    %get3A_1085 = tpu.vector_load %arg10[%get3A_1083, %get3A_1084] {strides = array<i32>} : memref<4x128xf32, #tpu.memory_space<vmem>>, vector<1x16xf32>,
    %get3A_1086 = vector.shape_cast %get3A_1085 : vector<1x16xf32> to vector<16xf32>
    %get3A_1087 = arith.constant 2 : i32
    %get3A_1088 = arith.index_cast %get3A_1087 : i32 to index
    %get3A_1089 = arith.constant 48 : index
    %get3A_1090 = tpu.vector_load %arg11[%get3A_1088, %get3A_1089] {strides = array<i32>} : memref<4x128xf32, #tpu.memory_space<vmem>>, vector<1x16xf32>,
    %get3A_1091 = vector.shape_cast %get3A_1090 : vector<1x16xf32> to vector<16xf32>
    %get3A_1092 = arith.constant 2 : i32
    %get3A_1093 = arith.index_cast %get3A_1092 : i32 to index
    %get3A_1094 = arith.constant 48 : index
    %get3A_1095 = tpu.vector_load %arg12[%get3A_1093, %get3A_1094] {strides = array<i32>} : memref<4x128xf32, #tpu.memory_space<vmem>>, vector<1x16xf32>,
    %get3A_1096 = vector.shape_cast %get3A_1095 : vector<1x16xf32> to vector<16xf32>
    %sub3A_1097 = arith.subf %get3A_1086, %get3A_1096 : vector<16xf32>
    %mul3A_1098 = arith.constant 3.400000e+00 : f32
    %mul3A_1099 = vector.broadcast %mul3A_1098 : f32 to vector<16xf32>
    %mul3A_1100 = arith.mulf %mul3A_1099, %sub3A_1097 : vector<16xf32>
    %neg3A_1101 = arith.constant 0.000000e+00 : f32
    %neg3A_1102 = vector.broadcast %neg3A_1101 : f32 to vector<16xf32>
    %neg3A_1103 = arith.subf %neg3A_1102, %get3A_1091 : vector<16xf32>
    %exp3A_1104 = math.exp %neg3A_1103 : vector<16xf32>
    %add3A_1105 = arith.constant 1.000000e+00 : f32
    %add3A_1106 = vector.broadcast %add3A_1105 : f32 to vector<16xf32>
    %add3A_1107 = arith.addf %add3A_1106, %exp3A_1104 : vector<16xf32>
    %div3A_1108 = arith.divf %mul3A_1100, %add3A_1107 : vector<16xf32>
    %neg3A_1109 = arith.constant 0.000000e+00 : f32
    %neg3A_1110 = vector.broadcast %neg3A_1109 : f32 to vector<16xf32>
    %neg3A_1111 = arith.subf %neg3A_1110, %div3A_1108 : vector<16xf32>
    %exp3A_1112 = math.exp %neg3A_1111 : vector<16xf32>
    %add3A_1113 = arith.constant 1.000000e+00 : f32
    %add3A_1114 = vector.broadcast %add3A_1113 : f32 to vector<16xf32>
    %add3A_1115 = arith.addf %add3A_1114, %exp3A_1112 : vector<16xf32>
    %div3A_1116 = arith.constant 1.000000e+00 : f32
    %div3A_1117 = vector.broadcast %div3A_1116 : f32 to vector<16xf32>
    %div3A_1118 = arith.divf %div3A_1117, %add3A_1115 : vector<16xf32>
    %swap3A_1119 = arith.constant 2 : i32
    %swap3A_1120 = arith.index_cast %swap3A_1119 : i32 to index
    %swap3A_1121 = arith.constant 48 : index
    %swap3A_1122 = tpu.vector_load %arg13[%swap3A_1120, %swap3A_1121] {strides = array<i32>} : memref<4x128xf32, #tpu.memory_space<vmem>>, vector<1x16xf32>,
    %swap3A_1123 = vector.shape_cast %swap3A_1122 : vector<1x16xf32> to vector<16xf32>
    %swap3A_1124 = vector.shape_cast %div3A_1118 : vector<16xf32> to vector<1x16xf32>
    tpu.vector_store %arg13[%swap3A_1120, %swap3A_1121], %swap3A_1124 {strides = array<i32>} : memref<4x128xf32, #tpu.memory_space<vmem>>, vector<1x16xf32>,
    %get3A_1125 = arith.constant 2 : i32
    %get3A_1126 = arith.index_cast %get3A_1125 : i32 to index
    %get3A_1127 = arith.constant 64 : index
    %get3A_1128 = tpu.vector_load %arg10[%get3A_1126, %get3A_1127] {strides = array<i32>} : memref<4x128xf32, #tpu.memory_space<vmem>>, vector<1x16xf32>,
    %get3A_1129 = vector.shape_cast %get3A_1128 : vector<1x16xf32> to vector<16xf32>
    %get3A_1130 = arith.constant 2 : i32
    %get3A_1131 = arith.index_cast %get3A_1130 : i32 to index
    %get3A_1132 = arith.constant 64 : index
    %get3A_1133 = tpu.vector_load %arg11[%get3A_1131, %get3A_1132] {strides = array<i32>} : memref<4x128xf32, #tpu.memory_space<vmem>>, vector<1x16xf32>,
    %get3A_1134 = vector.shape_cast %get3A_1133 : vector<1x16xf32> to vector<16xf32>
    %get3A_1135 = arith.constant 2 : i32
    %get3A_1136 = arith.index_cast %get3A_1135 : i32 to index
    %get3A_1137 = arith.constant 64 : index
    %get3A_1138 = tpu.vector_load %arg12[%get3A_1136, %get3A_1137] {strides = array<i32>} : memref<4x128xf32, #tpu.memory_space<vmem>>, vector<1x16xf32>,
    %get3A_1139 = vector.shape_cast %get3A_1138 : vector<1x16xf32> to vector<16xf32>
    %sub3A_1140 = arith.subf %get3A_1129, %get3A_1139 : vector<16xf32>
    %mul3A_1141 = arith.constant 3.400000e+00 : f32
    %mul3A_1142 = vector.broadcast %mul3A_1141 : f32 to vector<16xf32>
    %mul3A_1143 = arith.mulf %mul3A_1142, %sub3A_1140 : vector<16xf32>
    %neg3A_1144 = arith.constant 0.000000e+00 : f32
    %neg3A_1145 = vector.broadcast %neg3A_1144 : f32 to vector<16xf32>
    %neg3A_1146 = arith.subf %neg3A_1145, %get3A_1134 : vector<16xf32>
    %exp3A_1147 = math.exp %neg3A_1146 : vector<16xf32>
    %add3A_1148 = arith.constant 1.000000e+00 : f32
    %add3A_1149 = vector.broadcast %add3A_1148 : f32 to vector<16xf32>
    %add3A_1150 = arith.addf %add3A_1149, %exp3A_1147 : vector<16xf32>
    %div3A_1151 = arith.divf %mul3A_1143, %add3A_1150 : vector<16xf32>
    %neg3A_1152 = arith.constant 0.000000e+00 : f32
    %neg3A_1153 = vector.broadcast %neg3A_1152 : f32 to vector<16xf32>
    %neg3A_1154 = arith.subf %neg3A_1153, %div3A_1151 : vector<16xf32>
    %exp3A_1155 = math.exp %neg3A_1154 : vector<16xf32>
    %add3A_1156 = arith.constant 1.000000e+00 : f32
    %add3A_1157 = vector.broadcast %add3A_1156 : f32 to vector<16xf32>
    %add3A_1158 = arith.addf %add3A_1157, %exp3A_1155 : vector<16xf32>
    %div3A_1159 = arith.constant 1.000000e+00 : f32
    %div3A_1160 = vector.broadcast %div3A_1159 : f32 to vector<16xf32>
    %div3A_1161 = arith.divf %div3A_1160, %add3A_1158 : vector<16xf32>
    %swap3A_1162 = arith.constant 2 : i32
    %swap3A_1163 = arith.index_cast %swap3A_1162 : i32 to index
    %swap3A_1164 = arith.constant 64 : index
    %swap3A_1165 = tpu.vector_load %arg13[%swap3A_1163, %swap3A_1164] {strides = array<i32>} : memref<4x128xf32, #tpu.memory_space<vmem>>, vector<1x16xf32>,
    %swap3A_1166 = vector.shape_cast %swap3A_1165 : vector<1x16xf32> to vector<16xf32>
    %swap3A_1167 = vector.shape_cast %div3A_1161 : vector<16xf32> to vector<1x16xf32>
    tpu.vector_store %arg13[%swap3A_1163, %swap3A_1164], %swap3A_1167 {strides = array<i32>} : memref<4x128xf32, #tpu.memory_space<vmem>>, vector<1x16xf32>,
    %get3A_1168 = arith.constant 2 : i32
    %get3A_1169 = arith.index_cast %get3A_1168 : i32 to index
    %get3A_1170 = arith.constant 80 : index
    %get3A_1171 = tpu.vector_load %arg10[%get3A_1169, %get3A_1170] {strides = array<i32>} : memref<4x128xf32, #tpu.memory_space<vmem>>, vector<1x16xf32>,
    %get3A_1172 = vector.shape_cast %get3A_1171 : vector<1x16xf32> to vector<16xf32>
    %get3A_1173 = arith.constant 2 : i32
    %get3A_1174 = arith.index_cast %get3A_1173 : i32 to index
    %get3A_1175 = arith.constant 80 : index
    %get3A_1176 = tpu.vector_load %arg11[%get3A_1174, %get3A_1175] {strides = array<i32>} : memref<4x128xf32, #tpu.memory_space<vmem>>, vector<1x16xf32>,
    %get3A_1177 = vector.shape_cast %get3A_1176 : vector<1x16xf32> to vector<16xf32>
    %get3A_1178 = arith.constant 2 : i32
    %get3A_1179 = arith.index_cast %get3A_1178 : i32 to index
    %get3A_1180 = arith.constant 80 : index
    %get3A_1181 = tpu.vector_load %arg12[%get3A_1179, %get3A_1180] {strides = array<i32>} : memref<4x128xf32, #tpu.memory_space<vmem>>, vector<1x16xf32>,
    %get3A_1182 = vector.shape_cast %get3A_1181 : vector<1x16xf32> to vector<16xf32>
    %sub3A_1183 = arith.subf %get3A_1172, %get3A_1182 : vector<16xf32>
    %mul3A_1184 = arith.constant 3.400000e+00 : f32
    %mul3A_1185 = vector.broadcast %mul3A_1184 : f32 to vector<16xf32>
    %mul3A_1186 = arith.mulf %mul3A_1185, %sub3A_1183 : vector<16xf32>
    %neg3A_1187 = arith.constant 0.000000e+00 : f32
    %neg3A_1188 = vector.broadcast %neg3A_1187 : f32 to vector<16xf32>
    %neg3A_1189 = arith.subf %neg3A_1188, %get3A_1177 : vector<16xf32>
    %exp3A_1190 = math.exp %neg3A_1189 : vector<16xf32>
    %add3A_1191 = arith.constant 1.000000e+00 : f32
    %add3A_1192 = vector.broadcast %add3A_1191 : f32 to vector<16xf32>
    %add3A_1193 = arith.addf %add3A_1192, %exp3A_1190 : vector<16xf32>
    %div3A_1194 = arith.divf %mul3A_1186, %add3A_1193 : vector<16xf32>
    %neg3A_1195 = arith.constant 0.000000e+00 : f32
    %neg3A_1196 = vector.broadcast %neg3A_1195 : f32 to vector<16xf32>
    %neg3A_1197 = arith.subf %neg3A_1196, %div3A_1194 : vector<16xf32>
    %exp3A_1198 = math.exp %neg3A_1197 : vector<16xf32>
    %add3A_1199 = arith.constant 1.000000e+00 : f32
    %add3A_1200 = vector.broadcast %add3A_1199 : f32 to vector<16xf32>
    %add3A_1201 = arith.addf %add3A_1200, %exp3A_1198 : vector<16xf32>
    %div3A_1202 = arith.constant 1.000000e+00 : f32
    %div3A_1203 = vector.broadcast %div3A_1202 : f32 to vector<16xf32>
    %div3A_1204 = arith.divf %div3A_1203, %add3A_1201 : vector<16xf32>
    %swap3A_1205 = arith.constant 2 : i32
    %swap3A_1206 = arith.index_cast %swap3A_1205 : i32 to index
    %swap3A_1207 = arith.constant 80 : index
    %swap3A_1208 = tpu.vector_load %arg13[%swap3A_1206, %swap3A_1207] {strides = array<i32>} : memref<4x128xf32, #tpu.memory_space<vmem>>, vector<1x16xf32>,
    %swap3A_1209 = vector.shape_cast %swap3A_1208 : vector<1x16xf32> to vector<16xf32>
    %swap3A_1210 = vector.shape_cast %div3A_1204 : vector<16xf32> to vector<1x16xf32>
    tpu.vector_store %arg13[%swap3A_1206, %swap3A_1207], %swap3A_1210 {strides = array<i32>} : memref<4x128xf32, #tpu.memory_space<vmem>>, vector<1x16xf32>,
    %get3A_1211 = arith.constant 2 : i32
    %get3A_1212 = arith.index_cast %get3A_1211 : i32 to index
    %get3A_1213 = arith.constant 96 : index
    %get3A_1214 = tpu.vector_load %arg10[%get3A_1212, %get3A_1213] {strides = array<i32>} : memref<4x128xf32, #tpu.memory_space<vmem>>, vector<1x16xf32>,
    %get3A_1215 = vector.shape_cast %get3A_1214 : vector<1x16xf32> to vector<16xf32>
    %get3A_1216 = arith.constant 2 : i32
    %get3A_1217 = arith.index_cast %get3A_1216 : i32 to index
    %get3A_1218 = arith.constant 96 : index
    %get3A_1219 = tpu.vector_load %arg11[%get3A_1217, %get3A_1218] {strides = array<i32>} : memref<4x128xf32, #tpu.memory_space<vmem>>, vector<1x16xf32>,
    %get3A_1220 = vector.shape_cast %get3A_1219 : vector<1x16xf32> to vector<16xf32>
    %get3A_1221 = arith.constant 2 : i32
    %get3A_1222 = arith.index_cast %get3A_1221 : i32 to index
    %get3A_1223 = arith.constant 96 : index
    %get3A_1224 = tpu.vector_load %arg12[%get3A_1222, %get3A_1223] {strides = array<i32>} : memref<4x128xf32, #tpu.memory_space<vmem>>, vector<1x16xf32>,
    %get3A_1225 = vector.shape_cast %get3A_1224 : vector<1x16xf32> to vector<16xf32>
    %sub3A_1226 = arith.subf %get3A_1215, %get3A_1225 : vector<16xf32>
    %mul3A_1227 = arith.constant 3.400000e+00 : f32
    %mul3A_1228 = vector.broadcast %mul3A_1227 : f32 to vector<16xf32>
    %mul3A_1229 = arith.mulf %mul3A_1228, %sub3A_1226 : vector<16xf32>
    %neg3A_1230 = arith.constant 0.000000e+00 : f32
    %neg3A_1231 = vector.broadcast %neg3A_1230 : f32 to vector<16xf32>
    %neg3A_1232 = arith.subf %neg3A_1231, %get3A_1220 : vector<16xf32>
    %exp3A_1233 = math.exp %neg3A_1232 : vector<16xf32>
    %add3A_1234 = arith.constant 1.000000e+00 : f32
    %add3A_1235 = vector.broadcast %add3A_1234 : f32 to vector<16xf32>
    %add3A_1236 = arith.addf %add3A_1235, %exp3A_1233 : vector<16xf32>
    %div3A_1237 = arith.divf %mul3A_1229, %add3A_1236 : vector<16xf32>
    %neg3A_1238 = arith.constant 0.000000e+00 : f32
    %neg3A_1239 = vector.broadcast %neg3A_1238 : f32 to vector<16xf32>
    %neg3A_1240 = arith.subf %neg3A_1239, %div3A_1237 : vector<16xf32>
    %exp3A_1241 = math.exp %neg3A_1240 : vector<16xf32>
    %add3A_1242 = arith.constant 1.000000e+00 : f32
    %add3A_1243 = vector.broadcast %add3A_1242 : f32 to vector<16xf32>
    %add3A_1244 = arith.addf %add3A_1243, %exp3A_1241 : vector<16xf32>
    %div3A_1245 = arith.constant 1.000000e+00 : f32
    %div3A_1246 = vector.broadcast %div3A_1245 : f32 to vector<16xf32>
    %div3A_1247 = arith.divf %div3A_1246, %add3A_1244 : vector<16xf32>
    %swap3A_1248 = arith.constant 2 : i32
    %swap3A_1249 = arith.index_cast %swap3A_1248 : i32 to index
    %swap3A_1250 = arith.constant 96 : index
    %swap3A_1251 = tpu.vector_load %arg13[%swap3A_1249, %swap3A_1250] {strides = array<i32>} : memref<4x128xf32, #tpu.memory_space<vmem>>, vector<1x16xf32>,
    %swap3A_1252 = vector.shape_cast %swap3A_1251 : vector<1x16xf32> to vector<16xf32>
    %swap3A_1253 = vector.shape_cast %div3A_1247 : vector<16xf32> to vector<1x16xf32>
    tpu.vector_store %arg13[%swap3A_1249, %swap3A_1250], %swap3A_1253 {strides = array<i32>} : memref<4x128xf32, #tpu.memory_space<vmem>>, vector<1x16xf32>,
    %get3A_1254 = arith.constant 2 : i32
    %get3A_1255 = arith.index_cast %get3A_1254 : i32 to index
    %get3A_1256 = arith.constant 112 : index
    %get3A_1257 = tpu.vector_load %arg10[%get3A_1255, %get3A_1256] {strides = array<i32>} : memref<4x128xf32, #tpu.memory_space<vmem>>, vector<1x16xf32>,
    %get3A_1258 = vector.shape_cast %get3A_1257 : vector<1x16xf32> to vector<16xf32>
    %get3A_1259 = arith.constant 2 : i32
    %get3A_1260 = arith.index_cast %get3A_1259 : i32 to index
    %get3A_1261 = arith.constant 112 : index
    %get3A_1262 = tpu.vector_load %arg11[%get3A_1260, %get3A_1261] {strides = array<i32>} : memref<4x128xf32, #tpu.memory_space<vmem>>, vector<1x16xf32>,
    %get3A_1263 = vector.shape_cast %get3A_1262 : vector<1x16xf32> to vector<16xf32>
    %get3A_1264 = arith.constant 2 : i32
    %get3A_1265 = arith.index_cast %get3A_1264 : i32 to index
    %get3A_1266 = arith.constant 112 : index
    %get3A_1267 = tpu.vector_load %arg12[%get3A_1265, %get3A_1266] {strides = array<i32>} : memref<4x128xf32, #tpu.memory_space<vmem>>, vector<1x16xf32>,
    %get3A_1268 = vector.shape_cast %get3A_1267 : vector<1x16xf32> to vector<16xf32>
    %sub3A_1269 = arith.subf %get3A_1258, %get3A_1268 : vector<16xf32>
    %mul3A_1270 = arith.constant 3.400000e+00 : f32
    %mul3A_1271 = vector.broadcast %mul3A_1270 : f32 to vector<16xf32>
    %mul3A_1272 = arith.mulf %mul3A_1271, %sub3A_1269 : vector<16xf32>
    %neg3A_1273 = arith.constant 0.000000e+00 : f32
    %neg3A_1274 = vector.broadcast %neg3A_1273 : f32 to vector<16xf32>
    %neg3A_1275 = arith.subf %neg3A_1274, %get3A_1263 : vector<16xf32>
    %exp3A_1276 = math.exp %neg3A_1275 : vector<16xf32>
    %add3A_1277 = arith.constant 1.000000e+00 : f32
    %add3A_1278 = vector.broadcast %add3A_1277 : f32 to vector<16xf32>
    %add3A_1279 = arith.addf %add3A_1278, %exp3A_1276 : vector<16xf32>
    %div3A_1280 = arith.divf %mul3A_1272, %add3A_1279 : vector<16xf32>
    %neg3A_1281 = arith.constant 0.000000e+00 : f32
    %neg3A_1282 = vector.broadcast %neg3A_1281 : f32 to vector<16xf32>
    %neg3A_1283 = arith.subf %neg3A_1282, %div3A_1280 : vector<16xf32>
    %exp3A_1284 = math.exp %neg3A_1283 : vector<16xf32>
    %add3A_1285 = arith.constant 1.000000e+00 : f32
    %add3A_1286 = vector.broadcast %add3A_1285 : f32 to vector<16xf32>
    %add3A_1287 = arith.addf %add3A_1286, %exp3A_1284 : vector<16xf32>
    %div3A_1288 = arith.constant 1.000000e+00 : f32
    %div3A_1289 = vector.broadcast %div3A_1288 : f32 to vector<16xf32>
    %div3A_1290 = arith.divf %div3A_1289, %add3A_1287 : vector<16xf32>
    %swap3A_1291 = arith.constant 2 : i32
    %swap3A_1292 = arith.index_cast %swap3A_1291 : i32 to index
    %swap3A_1293 = arith.constant 112 : index
    %swap3A_1294 = tpu.vector_load %arg13[%swap3A_1292, %swap3A_1293] {strides = array<i32>} : memref<4x128xf32, #tpu.memory_space<vmem>>, vector<1x16xf32>,
    %swap3A_1295 = vector.shape_cast %swap3A_1294 : vector<1x16xf32> to vector<16xf32>
    %swap3A_1296 = vector.shape_cast %div3A_1290 : vector<16xf32> to vector<1x16xf32>
    tpu.vector_store %arg13[%swap3A_1292, %swap3A_1293], %swap3A_1296 {strides = array<i32>} : memref<4x128xf32, #tpu.memory_space<vmem>>, vector<1x16xf32>,
    %get3A_1297 = arith.constant 3 : i32
    %get3A_1298 = arith.index_cast %get3A_1297 : i32 to index
    %get3A_1299 = arith.constant 0 : index
    %get3A_1300 = tpu.vector_load %arg10[%get3A_1298, %get3A_1299] {strides = array<i32>} : memref<4x128xf32, #tpu.memory_space<vmem>>, vector<1x16xf32>,
    %get3A_1301 = vector.shape_cast %get3A_1300 : vector<1x16xf32> to vector<16xf32>
    %get3A_1302 = arith.constant 3 : i32
    %get3A_1303 = arith.index_cast %get3A_1302 : i32 to index
    %get3A_1304 = arith.constant 0 : index
    %get3A_1305 = tpu.vector_load %arg11[%get3A_1303, %get3A_1304] {strides = array<i32>} : memref<4x128xf32, #tpu.memory_space<vmem>>, vector<1x16xf32>,
    %get3A_1306 = vector.shape_cast %get3A_1305 : vector<1x16xf32> to vector<16xf32>
    %get3A_1307 = arith.constant 3 : i32
    %get3A_1308 = arith.index_cast %get3A_1307 : i32 to index
    %get3A_1309 = arith.constant 0 : index
    %get3A_1310 = tpu.vector_load %arg12[%get3A_1308, %get3A_1309] {strides = array<i32>} : memref<4x128xf32, #tpu.memory_space<vmem>>, vector<1x16xf32>,
    %get3A_1311 = vector.shape_cast %get3A_1310 : vector<1x16xf32> to vector<16xf32>
    %sub3A_1312 = arith.subf %get3A_1301, %get3A_1311 : vector<16xf32>
    %mul3A_1313 = arith.constant 3.400000e+00 : f32
    %mul3A_1314 = vector.broadcast %mul3A_1313 : f32 to vector<16xf32>
    %mul3A_1315 = arith.mulf %mul3A_1314, %sub3A_1312 : vector<16xf32>
    %neg3A_1316 = arith.constant 0.000000e+00 : f32
    %neg3A_1317 = vector.broadcast %neg3A_1316 : f32 to vector<16xf32>
    %neg3A_1318 = arith.subf %neg3A_1317, %get3A_1306 : vector<16xf32>
    %exp3A_1319 = math.exp %neg3A_1318 : vector<16xf32>
    %add3A_1320 = arith.constant 1.000000e+00 : f32
    %add3A_1321 = vector.broadcast %add3A_1320 : f32 to vector<16xf32>
    %add3A_1322 = arith.addf %add3A_1321, %exp3A_1319 : vector<16xf32>
    %div3A_1323 = arith.divf %mul3A_1315, %add3A_1322 : vector<16xf32>
    %neg3A_1324 = arith.constant 0.000000e+00 : f32
    %neg3A_1325 = vector.broadcast %neg3A_1324 : f32 to vector<16xf32>
    %neg3A_1326 = arith.subf %neg3A_1325, %div3A_1323 : vector<16xf32>
    %exp3A_1327 = math.exp %neg3A_1326 : vector<16xf32>
    %add3A_1328 = arith.constant 1.000000e+00 : f32
    %add3A_1329 = vector.broadcast %add3A_1328 : f32 to vector<16xf32>
    %add3A_1330 = arith.addf %add3A_1329, %exp3A_1327 : vector<16xf32>
    %div3A_1331 = arith.constant 1.000000e+00 : f32
    %div3A_1332 = vector.broadcast %div3A_1331 : f32 to vector<16xf32>
    %div3A_1333 = arith.divf %div3A_1332, %add3A_1330 : vector<16xf32>
    %swap3A_1334 = arith.constant 3 : i32
    %swap3A_1335 = arith.index_cast %swap3A_1334 : i32 to index
    %swap3A_1336 = arith.constant 0 : index
    %swap3A_1337 = tpu.vector_load %arg13[%swap3A_1335, %swap3A_1336] {strides = array<i32>} : memref<4x128xf32, #tpu.memory_space<vmem>>, vector<1x16xf32>,
    %swap3A_1338 = vector.shape_cast %swap3A_1337 : vector<1x16xf32> to vector<16xf32>
    %swap3A_1339 = vector.shape_cast %div3A_1333 : vector<16xf32> to vector<1x16xf32>
    tpu.vector_store %arg13[%swap3A_1335, %swap3A_1336], %swap3A_1339 {strides = array<i32>} : memref<4x128xf32, #tpu.memory_space<vmem>>, vector<1x16xf32>,
    %get3A_1340 = arith.constant 3 : i32
    %get3A_1341 = arith.index_cast %get3A_1340 : i32 to index
    %get3A_1342 = arith.constant 16 : index
    %get3A_1343 = tpu.vector_load %arg10[%get3A_1341, %get3A_1342] {strides = array<i32>} : memref<4x128xf32, #tpu.memory_space<vmem>>, vector<1x16xf32>,
    %get3A_1344 = vector.shape_cast %get3A_1343 : vector<1x16xf32> to vector<16xf32>
    %get3A_1345 = arith.constant 3 : i32
    %get3A_1346 = arith.index_cast %get3A_1345 : i32 to index
    %get3A_1347 = arith.constant 16 : index
    %get3A_1348 = tpu.vector_load %arg11[%get3A_1346, %get3A_1347] {strides = array<i32>} : memref<4x128xf32, #tpu.memory_space<vmem>>, vector<1x16xf32>,
    %get3A_1349 = vector.shape_cast %get3A_1348 : vector<1x16xf32> to vector<16xf32>
    %get3A_1350 = arith.constant 3 : i32
    %get3A_1351 = arith.index_cast %get3A_1350 : i32 to index
    %get3A_1352 = arith.constant 16 : index
    %get3A_1353 = tpu.vector_load %arg12[%get3A_1351, %get3A_1352] {strides = array<i32>} : memref<4x128xf32, #tpu.memory_space<vmem>>, vector<1x16xf32>,
    %get3A_1354 = vector.shape_cast %get3A_1353 : vector<1x16xf32> to vector<16xf32>
    %sub3A_1355 = arith.subf %get3A_1344, %get3A_1354 : vector<16xf32>
    %mul3A_1356 = arith.constant 3.400000e+00 : f32
    %mul3A_1357 = vector.broadcast %mul3A_1356 : f32 to vector<16xf32>
    %mul3A_1358 = arith.mulf %mul3A_1357, %sub3A_1355 : vector<16xf32>
    %neg3A_1359 = arith.constant 0.000000e+00 : f32
    %neg3A_1360 = vector.broadcast %neg3A_1359 : f32 to vector<16xf32>
    %neg3A_1361 = arith.subf %neg3A_1360, %get3A_1349 : vector<16xf32>
    %exp3A_1362 = math.exp %neg3A_1361 : vector<16xf32>
    %add3A_1363 = arith.constant 1.000000e+00 : f32
    %add3A_1364 = vector.broadcast %add3A_1363 : f32 to vector<16xf32>
    %add3A_1365 = arith.addf %add3A_1364, %exp3A_1362 : vector<16xf32>
    %div3A_1366 = arith.divf %mul3A_1358, %add3A_1365 : vector<16xf32>
    %neg3A_1367 = arith.constant 0.000000e+00 : f32
    %neg3A_1368 = vector.broadcast %neg3A_1367 : f32 to vector<16xf32>
    %neg3A_1369 = arith.subf %neg3A_1368, %div3A_1366 : vector<16xf32>
    %exp3A_1370 = math.exp %neg3A_1369 : vector<16xf32>
    %add3A_1371 = arith.constant 1.000000e+00 : f32
    %add3A_1372 = vector.broadcast %add3A_1371 : f32 to vector<16xf32>
    %add3A_1373 = arith.addf %add3A_1372, %exp3A_1370 : vector<16xf32>
    %div3A_1374 = arith.constant 1.000000e+00 : f32
    %div3A_1375 = vector.broadcast %div3A_1374 : f32 to vector<16xf32>
    %div3A_1376 = arith.divf %div3A_1375, %add3A_1373 : vector<16xf32>
    %swap3A_1377 = arith.constant 3 : i32
    %swap3A_1378 = arith.index_cast %swap3A_1377 : i32 to index
    %swap3A_1379 = arith.constant 16 : index
    %swap3A_1380 = tpu.vector_load %arg13[%swap3A_1378, %swap3A_1379] {strides = array<i32>} : memref<4x128xf32, #tpu.memory_space<vmem>>, vector<1x16xf32>,
    %swap3A_1381 = vector.shape_cast %swap3A_1380 : vector<1x16xf32> to vector<16xf32>
    %swap3A_1382 = vector.shape_cast %div3A_1376 : vector<16xf32> to vector<1x16xf32>
    tpu.vector_store %arg13[%swap3A_1378, %swap3A_1379], %swap3A_1382 {strides = array<i32>} : memref<4x128xf32, #tpu.memory_space<vmem>>, vector<1x16xf32>,
    %get3A_1383 = arith.constant 3 : i32
    %get3A_1384 = arith.index_cast %get3A_1383 : i32 to index
    %get3A_1385 = arith.constant 32 : index
    %get3A_1386 = tpu.vector_load %arg10[%get3A_1384, %get3A_1385] {strides = array<i32>} : memref<4x128xf32, #tpu.memory_space<vmem>>, vector<1x16xf32>,
    %get3A_1387 = vector.shape_cast %get3A_1386 : vector<1x16xf32> to vector<16xf32>
    %get3A_1388 = arith.constant 3 : i32
    %get3A_1389 = arith.index_cast %get3A_1388 : i32 to index
    %get3A_1390 = arith.constant 32 : index
    %get3A_1391 = tpu.vector_load %arg11[%get3A_1389, %get3A_1390] {strides = array<i32>} : memref<4x128xf32, #tpu.memory_space<vmem>>, vector<1x16xf32>,
    %get3A_1392 = vector.shape_cast %get3A_1391 : vector<1x16xf32> to vector<16xf32>
    %get3A_1393 = arith.constant 3 : i32
    %get3A_1394 = arith.index_cast %get3A_1393 : i32 to index
    %get3A_1395 = arith.constant 32 : index
    %get3A_1396 = tpu.vector_load %arg12[%get3A_1394, %get3A_1395] {strides = array<i32>} : memref<4x128xf32, #tpu.memory_space<vmem>>, vector<1x16xf32>,
    %get3A_1397 = vector.shape_cast %get3A_1396 : vector<1x16xf32> to vector<16xf32>
    %sub3A_1398 = arith.subf %get3A_1387, %get3A_1397 : vector<16xf32>
    %mul3A_1399 = arith.constant 3.400000e+00 : f32
    %mul3A_1400 = vector.broadcast %mul3A_1399 : f32 to vector<16xf32>
    %mul3A_1401 = arith.mulf %mul3A_1400, %sub3A_1398 : vector<16xf32>
    %neg3A_1402 = arith.constant 0.000000e+00 : f32
    %neg3A_1403 = vector.broadcast %neg3A_1402 : f32 to vector<16xf32>
    %neg3A_1404 = arith.subf %neg3A_1403, %get3A_1392 : vector<16xf32>
    %exp3A_1405 = math.exp %neg3A_1404 : vector<16xf32>
    %add3A_1406 = arith.constant 1.000000e+00 : f32
    %add3A_1407 = vector.broadcast %add3A_1406 : f32 to vector<16xf32>
    %add3A_1408 = arith.addf %add3A_1407, %exp3A_1405 : vector<16xf32>
    %div3A_1409 = arith.divf %mul3A_1401, %add3A_1408 : vector<16xf32>
    %neg3A_1410 = arith.constant 0.000000e+00 : f32
    %neg3A_1411 = vector.broadcast %neg3A_1410 : f32 to vector<16xf32>
    %neg3A_1412 = arith.subf %neg3A_1411, %div3A_1409 : vector<16xf32>
    %exp3A_1413 = math.exp %neg3A_1412 : vector<16xf32>
    %add3A_1414 = arith.constant 1.000000e+00 : f32
    %add3A_1415 = vector.broadcast %add3A_1414 : f32 to vector<16xf32>
    %add3A_1416 = arith.addf %add3A_1415, %exp3A_1413 : vector<16xf32>
    %div3A_1417 = arith.constant 1.000000e+00 : f32
    %div3A_1418 = vector.broadcast %div3A_1417 : f32 to vector<16xf32>
    %div3A_1419 = arith.divf %div3A_1418, %add3A_1416 : vector<16xf32>
    %swap3A_1420 = arith.constant 3 : i32
    %swap3A_1421 = arith.index_cast %swap3A_1420 : i32 to index
    %swap3A_1422 = arith.constant 32 : index
    %swap3A_1423 = tpu.vector_load %arg13[%swap3A_1421, %swap3A_1422] {strides = array<i32>} : memref<4x128xf32, #tpu.memory_space<vmem>>, vector<1x16xf32>,
    %swap3A_1424 = vector.shape_cast %swap3A_1423 : vector<1x16xf32> to vector<16xf32>
    %swap3A_1425 = vector.shape_cast %div3A_1419 : vector<16xf32> to vector<1x16xf32>
    tpu.vector_store %arg13[%swap3A_1421, %swap3A_1422], %swap3A_1425 {strides = array<i32>} : memref<4x128xf32, #tpu.memory_space<vmem>>, vector<1x16xf32>,
    %get3A_1426 = arith.constant 3 : i32
    %get3A_1427 = arith.index_cast %get3A_1426 : i32 to index
    %get3A_1428 = arith.constant 48 : index
    %get3A_1429 = tpu.vector_load %arg10[%get3A_1427, %get3A_1428] {strides = array<i32>} : memref<4x128xf32, #tpu.memory_space<vmem>>, vector<1x16xf32>,
    %get3A_1430 = vector.shape_cast %get3A_1429 : vector<1x16xf32> to vector<16xf32>
    %get3A_1431 = arith.constant 3 : i32
    %get3A_1432 = arith.index_cast %get3A_1431 : i32 to index
    %get3A_1433 = arith.constant 48 : index
    %get3A_1434 = tpu.vector_load %arg11[%get3A_1432, %get3A_1433] {strides = array<i32>} : memref<4x128xf32, #tpu.memory_space<vmem>>, vector<1x16xf32>,
    %get3A_1435 = vector.shape_cast %get3A_1434 : vector<1x16xf32> to vector<16xf32>
    %get3A_1436 = arith.constant 3 : i32
    %get3A_1437 = arith.index_cast %get3A_1436 : i32 to index
    %get3A_1438 = arith.constant 48 : index
    %get3A_1439 = tpu.vector_load %arg12[%get3A_1437, %get3A_1438] {strides = array<i32>} : memref<4x128xf32, #tpu.memory_space<vmem>>, vector<1x16xf32>,
    %get3A_1440 = vector.shape_cast %get3A_1439 : vector<1x16xf32> to vector<16xf32>
    %sub3A_1441 = arith.subf %get3A_1430, %get3A_1440 : vector<16xf32>
    %mul3A_1442 = arith.constant 3.400000e+00 : f32
    %mul3A_1443 = vector.broadcast %mul3A_1442 : f32 to vector<16xf32>
    %mul3A_1444 = arith.mulf %mul3A_1443, %sub3A_1441 : vector<16xf32>
    %neg3A_1445 = arith.constant 0.000000e+00 : f32
    %neg3A_1446 = vector.broadcast %neg3A_1445 : f32 to vector<16xf32>
    %neg3A_1447 = arith.subf %neg3A_1446, %get3A_1435 : vector<16xf32>
    %exp3A_1448 = math.exp %neg3A_1447 : vector<16xf32>
    %add3A_1449 = arith.constant 1.000000e+00 : f32
    %add3A_1450 = vector.broadcast %add3A_1449 : f32 to vector<16xf32>
    %add3A_1451 = arith.addf %add3A_1450, %exp3A_1448 : vector<16xf32>
    %div3A_1452 = arith.divf %mul3A_1444, %add3A_1451 : vector<16xf32>
    %neg3A_1453 = arith.constant 0.000000e+00 : f32
    %neg3A_1454 = vector.broadcast %neg3A_1453 : f32 to vector<16xf32>
    %neg3A_1455 = arith.subf %neg3A_1454, %div3A_1452 : vector<16xf32>
    %exp3A_1456 = math.exp %neg3A_1455 : vector<16xf32>
    %add3A_1457 = arith.constant 1.000000e+00 : f32
    %add3A_1458 = vector.broadcast %add3A_1457 : f32 to vector<16xf32>
    %add3A_1459 = arith.addf %add3A_1458, %exp3A_1456 : vector<16xf32>
    %div3A_1460 = arith.constant 1.000000e+00 : f32
    %div3A_1461 = vector.broadcast %div3A_1460 : f32 to vector<16xf32>
    %div3A_1462 = arith.divf %div3A_1461, %add3A_1459 : vector<16xf32>
    %swap3A_1463 = arith.constant 3 : i32
    %swap3A_1464 = arith.index_cast %swap3A_1463 : i32 to index
    %swap3A_1465 = arith.constant 48 : index
    %swap3A_1466 = tpu.vector_load %arg13[%swap3A_1464, %swap3A_1465] {strides = array<i32>} : memref<4x128xf32, #tpu.memory_space<vmem>>, vector<1x16xf32>,
    %swap3A_1467 = vector.shape_cast %swap3A_1466 : vector<1x16xf32> to vector<16xf32>
    %swap3A_1468 = vector.shape_cast %div3A_1462 : vector<16xf32> to vector<1x16xf32>
    tpu.vector_store %arg13[%swap3A_1464, %swap3A_1465], %swap3A_1468 {strides = array<i32>} : memref<4x128xf32, #tpu.memory_space<vmem>>, vector<1x16xf32>,
    %get3A_1469 = arith.constant 3 : i32
    %get3A_1470 = arith.index_cast %get3A_1469 : i32 to index
    %get3A_1471 = arith.constant 64 : index
    %get3A_1472 = tpu.vector_load %arg10[%get3A_1470, %get3A_1471] {strides = array<i32>} : memref<4x128xf32, #tpu.memory_space<vmem>>, vector<1x16xf32>,
    %get3A_1473 = vector.shape_cast %get3A_1472 : vector<1x16xf32> to vector<16xf32>
    %get3A_1474 = arith.constant 3 : i32
    %get3A_1475 = arith.index_cast %get3A_1474 : i32 to index
    %get3A_1476 = arith.constant 64 : index
    %get3A_1477 = tpu.vector_load %arg11[%get3A_1475, %get3A_1476] {strides = array<i32>} : memref<4x128xf32, #tpu.memory_space<vmem>>, vector<1x16xf32>,
    %get3A_1478 = vector.shape_cast %get3A_1477 : vector<1x16xf32> to vector<16xf32>
    %get3A_1479 = arith.constant 3 : i32
    %get3A_1480 = arith.index_cast %get3A_1479 : i32 to index
    %get3A_1481 = arith.constant 64 : index
    %get3A_1482 = tpu.vector_load %arg12[%get3A_1480, %get3A_1481] {strides = array<i32>} : memref<4x128xf32, #tpu.memory_space<vmem>>, vector<1x16xf32>,
    %get3A_1483 = vector.shape_cast %get3A_1482 : vector<1x16xf32> to vector<16xf32>
    %sub3A_1484 = arith.subf %get3A_1473, %get3A_1483 : vector<16xf32>
    %mul3A_1485 = arith.constant 3.400000e+00 : f32
    %mul3A_1486 = vector.broadcast %mul3A_1485 : f32 to vector<16xf32>
    %mul3A_1487 = arith.mulf %mul3A_1486, %sub3A_1484 : vector<16xf32>
    %neg3A_1488 = arith.constant 0.000000e+00 : f32
    %neg3A_1489 = vector.broadcast %neg3A_1488 : f32 to vector<16xf32>
    %neg3A_1490 = arith.subf %neg3A_1489, %get3A_1478 : vector<16xf32>
    %exp3A_1491 = math.exp %neg3A_1490 : vector<16xf32>
    %add3A_1492 = arith.constant 1.000000e+00 : f32
    %add3A_1493 = vector.broadcast %add3A_1492 : f32 to vector<16xf32>
    %add3A_1494 = arith.addf %add3A_1493, %exp3A_1491 : vector<16xf32>
    %div3A_1495 = arith.divf %mul3A_1487, %add3A_1494 : vector<16xf32>
    %neg3A_1496 = arith.constant 0.000000e+00 : f32
    %neg3A_1497 = vector.broadcast %neg3A_1496 : f32 to vector<16xf32>
    %neg3A_1498 = arith.subf %neg3A_1497, %div3A_1495 : vector<16xf32>
    %exp3A_1499 = math.exp %neg3A_1498 : vector<16xf32>
    %add3A_1500 = arith.constant 1.000000e+00 : f32
    %add3A_1501 = vector.broadcast %add3A_1500 : f32 to vector<16xf32>
    %add3A_1502 = arith.addf %add3A_1501, %exp3A_1499 : vector<16xf32>
    %div3A_1503 = arith.constant 1.000000e+00 : f32
    %div3A_1504 = vector.broadcast %div3A_1503 : f32 to vector<16xf32>
    %div3A_1505 = arith.divf %div3A_1504, %add3A_1502 : vector<16xf32>
    %swap3A_1506 = arith.constant 3 : i32
    %swap3A_1507 = arith.index_cast %swap3A_1506 : i32 to index
    %swap3A_1508 = arith.constant 64 : index
    %swap3A_1509 = tpu.vector_load %arg13[%swap3A_1507, %swap3A_1508] {strides = array<i32>} : memref<4x128xf32, #tpu.memory_space<vmem>>, vector<1x16xf32>,
    %swap3A_1510 = vector.shape_cast %swap3A_1509 : vector<1x16xf32> to vector<16xf32>
    %swap3A_1511 = vector.shape_cast %div3A_1505 : vector<16xf32> to vector<1x16xf32>
    tpu.vector_store %arg13[%swap3A_1507, %swap3A_1508], %swap3A_1511 {strides = array<i32>} : memref<4x128xf32, #tpu.memory_space<vmem>>, vector<1x16xf32>,
    %get3A_1512 = arith.constant 3 : i32
    %get3A_1513 = arith.index_cast %get3A_1512 : i32 to index
    %get3A_1514 = arith.constant 80 : index
    %get3A_1515 = tpu.vector_load %arg10[%get3A_1513, %get3A_1514] {strides = array<i32>} : memref<4x128xf32, #tpu.memory_space<vmem>>, vector<1x16xf32>,
    %get3A_1516 = vector.shape_cast %get3A_1515 : vector<1x16xf32> to vector<16xf32>
    %get3A_1517 = arith.constant 3 : i32
    %get3A_1518 = arith.index_cast %get3A_1517 : i32 to index
    %get3A_1519 = arith.constant 80 : index
    %get3A_1520 = tpu.vector_load %arg11[%get3A_1518, %get3A_1519] {strides = array<i32>} : memref<4x128xf32, #tpu.memory_space<vmem>>, vector<1x16xf32>,
    %get3A_1521 = vector.shape_cast %get3A_1520 : vector<1x16xf32> to vector<16xf32>
    %get3A_1522 = arith.constant 3 : i32
    %get3A_1523 = arith.index_cast %get3A_1522 : i32 to index
    %get3A_1524 = arith.constant 80 : index
    %get3A_1525 = tpu.vector_load %arg12[%get3A_1523, %get3A_1524] {strides = array<i32>} : memref<4x128xf32, #tpu.memory_space<vmem>>, vector<1x16xf32>,
    %get3A_1526 = vector.shape_cast %get3A_1525 : vector<1x16xf32> to vector<16xf32>
    %sub3A_1527 = arith.subf %get3A_1516, %get3A_1526 : vector<16xf32>
    %mul3A_1528 = arith.constant 3.400000e+00 : f32
    %mul3A_1529 = vector.broadcast %mul3A_1528 : f32 to vector<16xf32>
    %mul3A_1530 = arith.mulf %mul3A_1529, %sub3A_1527 : vector<16xf32>
    %neg3A_1531 = arith.constant 0.000000e+00 : f32
    %neg3A_1532 = vector.broadcast %neg3A_1531 : f32 to vector<16xf32>
    %neg3A_1533 = arith.subf %neg3A_1532, %get3A_1521 : vector<16xf32>
    %exp3A_1534 = math.exp %neg3A_1533 : vector<16xf32>
    %add3A_1535 = arith.constant 1.000000e+00 : f32
    %add3A_1536 = vector.broadcast %add3A_1535 : f32 to vector<16xf32>
    %add3A_1537 = arith.addf %add3A_1536, %exp3A_1534 : vector<16xf32>
    %div3A_1538 = arith.divf %mul3A_1530, %add3A_1537 : vector<16xf32>
    %neg3A_1539 = arith.constant 0.000000e+00 : f32
    %neg3A_1540 = vector.broadcast %neg3A_1539 : f32 to vector<16xf32>
    %neg3A_1541 = arith.subf %neg3A_1540, %div3A_1538 : vector<16xf32>
    %exp3A_1542 = math.exp %neg3A_1541 : vector<16xf32>
    %add3A_1543 = arith.constant 1.000000e+00 : f32
    %add3A_1544 = vector.broadcast %add3A_1543 : f32 to vector<16xf32>
    %add3A_1545 = arith.addf %add3A_1544, %exp3A_1542 : vector<16xf32>
    %div3A_1546 = arith.constant 1.000000e+00 : f32
    %div3A_1547 = vector.broadcast %div3A_1546 : f32 to vector<16xf32>
    %div3A_1548 = arith.divf %div3A_1547, %add3A_1545 : vector<16xf32>
    %swap3A_1549 = arith.constant 3 : i32
    %swap3A_1550 = arith.index_cast %swap3A_1549 : i32 to index
    %swap3A_1551 = arith.constant 80 : index
    %swap3A_1552 = tpu.vector_load %arg13[%swap3A_1550, %swap3A_1551] {strides = array<i32>} : memref<4x128xf32, #tpu.memory_space<vmem>>, vector<1x16xf32>,
    %swap3A_1553 = vector.shape_cast %swap3A_1552 : vector<1x16xf32> to vector<16xf32>
    %swap3A_1554 = vector.shape_cast %div3A_1548 : vector<16xf32> to vector<1x16xf32>
    tpu.vector_store %arg13[%swap3A_1550, %swap3A_1551], %swap3A_1554 {strides = array<i32>} : memref<4x128xf32, #tpu.memory_space<vmem>>, vector<1x16xf32>,
    %get3A_1555 = arith.constant 3 : i32
    %get3A_1556 = arith.index_cast %get3A_1555 : i32 to index
    %get3A_1557 = arith.constant 96 : index
    %get3A_1558 = tpu.vector_load %arg10[%get3A_1556, %get3A_1557] {strides = array<i32>} : memref<4x128xf32, #tpu.memory_space<vmem>>, vector<1x16xf32>,
    %get3A_1559 = vector.shape_cast %get3A_1558 : vector<1x16xf32> to vector<16xf32>
    %get3A_1560 = arith.constant 3 : i32
    %get3A_1561 = arith.index_cast %get3A_1560 : i32 to index
    %get3A_1562 = arith.constant 96 : index
    %get3A_1563 = tpu.vector_load %arg11[%get3A_1561, %get3A_1562] {strides = array<i32>} : memref<4x128xf32, #tpu.memory_space<vmem>>, vector<1x16xf32>,
    %get3A_1564 = vector.shape_cast %get3A_1563 : vector<1x16xf32> to vector<16xf32>
    %get3A_1565 = arith.constant 3 : i32
    %get3A_1566 = arith.index_cast %get3A_1565 : i32 to index
    %get3A_1567 = arith.constant 96 : index
    %get3A_1568 = tpu.vector_load %arg12[%get3A_1566, %get3A_1567] {strides = array<i32>} : memref<4x128xf32, #tpu.memory_space<vmem>>, vector<1x16xf32>,
    %get3A_1569 = vector.shape_cast %get3A_1568 : vector<1x16xf32> to vector<16xf32>
    %sub3A_1570 = arith.subf %get3A_1559, %get3A_1569 : vector<16xf32>
    %mul3A_1571 = arith.constant 3.400000e+00 : f32
    %mul3A_1572 = vector.broadcast %mul3A_1571 : f32 to vector<16xf32>
    %mul3A_1573 = arith.mulf %mul3A_1572, %sub3A_1570 : vector<16xf32>
    %neg3A_1574 = arith.constant 0.000000e+00 : f32
    %neg3A_1575 = vector.broadcast %neg3A_1574 : f32 to vector<16xf32>
    %neg3A_1576 = arith.subf %neg3A_1575, %get3A_1564 : vector<16xf32>
    %exp3A_1577 = math.exp %neg3A_1576 : vector<16xf32>
    %add3A_1578 = arith.constant 1.000000e+00 : f32
    %add3A_1579 = vector.broadcast %add3A_1578 : f32 to vector<16xf32>
    %add3A_1580 = arith.addf %add3A_1579, %exp3A_1577 : vector<16xf32>
    %div3A_1581 = arith.divf %mul3A_1573, %add3A_1580 : vector<16xf32>
    %neg3A_1582 = arith.constant 0.000000e+00 : f32
    %neg3A_1583 = vector.broadcast %neg3A_1582 : f32 to vector<16xf32>
    %neg3A_1584 = arith.subf %neg3A_1583, %div3A_1581 : vector<16xf32>
    %exp3A_1585 = math.exp %neg3A_1584 : vector<16xf32>
    %add3A_1586 = arith.constant 1.000000e+00 : f32
    %add3A_1587 = vector.broadcast %add3A_1586 : f32 to vector<16xf32>
    %add3A_1588 = arith.addf %add3A_1587, %exp3A_1585 : vector<16xf32>
    %div3A_1589 = arith.constant 1.000000e+00 : f32
    %div3A_1590 = vector.broadcast %div3A_1589 : f32 to vector<16xf32>
    %div3A_1591 = arith.divf %div3A_1590, %add3A_1588 : vector<16xf32>
    %swap3A_1592 = arith.constant 3 : i32
    %swap3A_1593 = arith.index_cast %swap3A_1592 : i32 to index
    %swap3A_1594 = arith.constant 96 : index
    %swap3A_1595 = tpu.vector_load %arg13[%swap3A_1593, %swap3A_1594] {strides = array<i32>} : memref<4x128xf32, #tpu.memory_space<vmem>>, vector<1x16xf32>,
    %swap3A_1596 = vector.shape_cast %swap3A_1595 : vector<1x16xf32> to vector<16xf32>
    %swap3A_1597 = vector.shape_cast %div3A_1591 : vector<16xf32> to vector<1x16xf32>
    tpu.vector_store %arg13[%swap3A_1593, %swap3A_1594], %swap3A_1597 {strides = array<i32>} : memref<4x128xf32, #tpu.memory_space<vmem>>, vector<1x16xf32>,
    %get3A_1598 = arith.constant 3 : i32
    %get3A_1599 = arith.index_cast %get3A_1598 : i32 to index
    %get3A_1600 = arith.constant 112 : index
    %get3A_1601 = tpu.vector_load %arg10[%get3A_1599, %get3A_1600] {strides = array<i32>} : memref<4x128xf32, #tpu.memory_space<vmem>>, vector<1x16xf32>,
    %get3A_1602 = vector.shape_cast %get3A_1601 : vector<1x16xf32> to vector<16xf32>
    %get3A_1603 = arith.constant 3 : i32
    %get3A_1604 = arith.index_cast %get3A_1603 : i32 to index
    %get3A_1605 = arith.constant 112 : index
    %get3A_1606 = tpu.vector_load %arg11[%get3A_1604, %get3A_1605] {strides = array<i32>} : memref<4x128xf32, #tpu.memory_space<vmem>>, vector<1x16xf32>,
    %get3A_1607 = vector.shape_cast %get3A_1606 : vector<1x16xf32> to vector<16xf32>
    %get3A_1608 = arith.constant 3 : i32
    %get3A_1609 = arith.index_cast %get3A_1608 : i32 to index
    %get3A_1610 = arith.constant 112 : index
    %get3A_1611 = tpu.vector_load %arg12[%get3A_1609, %get3A_1610] {strides = array<i32>} : memref<4x128xf32, #tpu.memory_space<vmem>>, vector<1x16xf32>,
    %get3A_1612 = vector.shape_cast %get3A_1611 : vector<1x16xf32> to vector<16xf32>
    %sub3A_1613 = arith.subf %get3A_1602, %get3A_1612 : vector<16xf32>
    %mul3A_1614 = arith.constant 3.400000e+00 : f32
    %mul3A_1615 = vector.broadcast %mul3A_1614 : f32 to vector<16xf32>
    %mul3A_1616 = arith.mulf %mul3A_1615, %sub3A_1613 : vector<16xf32>
    %neg3A_1617 = arith.constant 0.000000e+00 : f32
    %neg3A_1618 = vector.broadcast %neg3A_1617 : f32 to vector<16xf32>
    %neg3A_1619 = arith.subf %neg3A_1618, %get3A_1607 : vector<16xf32>
    %exp3A_1620 = math.exp %neg3A_1619 : vector<16xf32>
    %add3A_1621 = arith.constant 1.000000e+00 : f32
    %add3A_1622 = vector.broadcast %add3A_1621 : f32 to vector<16xf32>
    %add3A_1623 = arith.addf %add3A_1622, %exp3A_1620 : vector<16xf32>
    %div3A_1624 = arith.divf %mul3A_1616, %add3A_1623 : vector<16xf32>
    %neg3A_1625 = arith.constant 0.000000e+00 : f32
    %neg3A_1626 = vector.broadcast %neg3A_1625 : f32 to vector<16xf32>
    %neg3A_1627 = arith.subf %neg3A_1626, %div3A_1624 : vector<16xf32>
    %exp3A_1628 = math.exp %neg3A_1627 : vector<16xf32>
    %add3A_1629 = arith.constant 1.000000e+00 : f32
    %add3A_1630 = vector.broadcast %add3A_1629 : f32 to vector<16xf32>
    %add3A_1631 = arith.addf %add3A_1630, %exp3A_1628 : vector<16xf32>
    %div3A_1632 = arith.constant 1.000000e+00 : f32
    %div3A_1633 = vector.broadcast %div3A_1632 : f32 to vector<16xf32>
    %div3A_1634 = arith.divf %div3A_1633, %add3A_1631 : vector<16xf32>
    %swap3A_1635 = arith.constant 3 : i32
    %swap3A_1636 = arith.index_cast %swap3A_1635 : i32 to index
    %swap3A_1637 = arith.constant 112 : index
    %swap3A_1638 = tpu.vector_load %arg13[%swap3A_1636, %swap3A_1637] {strides = array<i32>} : memref<4x128xf32, #tpu.memory_space<vmem>>, vector<1x16xf32>,
    %swap3A_1639 = vector.shape_cast %swap3A_1638 : vector<1x16xf32> to vector<16xf32>
    %swap3A_1640 = vector.shape_cast %div3A_1634 : vector<16xf32> to vector<1x16xf32>
    tpu.vector_store %arg13[%swap3A_1636, %swap3A_1637], %swap3A_1640 {strides = array<i32>} : memref<4x128xf32, #tpu.memory_space<vmem>>, vector<1x16xf32>,
    %dma_start3A_1641 = arith.constant 0 : i32
    %dma_start3A_1642 = arith.constant 0 : i32
    %dma_start3A_1643 = tpu.memref_slice %arg7[%add3A, %dma_start3A_1641, %dma_start3A_1642] : memref<32x4x128xf32, #tpu.memory_space<hbm>> -> memref<1x4x128xf32, #tpu.memory_space<hbm>>
    %dma_start3A_1644 = tpu.memref_squeeze %dma_start3A_1643 : memref<1x4x128xf32, #tpu.memory_space<hbm>> -> memref<4x128xf32, #tpu.memory_space<hbm>>
    %dma_start3A_1645 = arith.constant 0 : i32
    %dma_start3A_1646 = arith.constant 0 : i32
    %dma_start3A_1647 = tpu.memref_slice %arg7[%add3A, %dma_start3A_1645, %dma_start3A_1646] : memref<32x4x128xf32, #tpu.memory_space<hbm>> -> memref<1x4x128xf32, #tpu.memory_space<hbm>>
    %dma_start3A_1648 = tpu.memref_squeeze %dma_start3A_1647 : memref<1x4x128xf32, #tpu.memory_space<hbm>> -> memref<4x128xf32, #tpu.memory_space<hbm>>
    tpu.enqueue_dma source(%arg13 : memref<4x128xf32, #tpu.memory_space<vmem>>) target(%dma_start3A_1648 : memref<4x128xf32, #tpu.memory_space<hbm>>) target_semaphore(%arg16 : memref<!tpu.dma_semaphore, #tpu.memory_space<semaphore_mem>>)
    %dma_wait3A_1649 = arith.constant 0 : i32
    %dma_wait3A_1650 = arith.constant 0 : i32
    %dma_wait3A_1651 = tpu.memref_slice %arg7[%add3A, %dma_wait3A_1649, %dma_wait3A_1650] : memref<32x4x128xf32, #tpu.memory_space<hbm>> -> memref<1x4x128xf32, #tpu.memory_space<hbm>>
    %dma_wait3A_1652 = tpu.memref_squeeze %dma_wait3A_1651 : memref<1x4x128xf32, #tpu.memory_space<hbm>> -> memref<4x128xf32, #tpu.memory_space<hbm>>
    %dma_wait3A_1653 = arith.constant 0 : i32
    %dma_wait3A_1654 = arith.constant 0 : i32
    %dma_wait3A_1655 = tpu.memref_slice %arg7[%add3A, %dma_wait3A_1653, %dma_wait3A_1654] : memref<32x4x128xf32, #tpu.memory_space<hbm>> -> memref<1x4x128xf32, #tpu.memory_space<hbm>>
    %dma_wait3A_1656 = tpu.memref_squeeze %dma_wait3A_1655 : memref<1x4x128xf32, #tpu.memory_space<hbm>> -> memref<4x128xf32, #tpu.memory_space<hbm>>
    tpu.wait_dma2 semaphore(%arg16 : memref<!tpu.dma_semaphore, #tpu.memory_space<semaphore_mem>>) src(%arg13 : memref<4x128xf32, #tpu.memory_space<vmem>>) dst(%dma_wait3A_1656 : memref<4x128xf32, #tpu.memory_space<hbm>>)
    return
  }
}

</mosaic_0001>

<sc_bundles>
// kernel: kernel.3.cloned.1.call-start
scs
__scs_entry_jumppad:
0x0: {  	(pc) =	sbr.rel $0x88, $3  }
0x1: {  	(tag) =	ssettag $0x0;
	lr =	simm.s32 $0x1  }
0x2: {  	[smem:$0x3F9C] =	sst lr;
	_ =	strace $0xD0000000  }
0x3: {  	_ = 	snop  }
0x4: {  	_ = 	snop  }
0x5: {  	_ = 	snop  }
0x6: {  	_ = 	snop  }
0x7: {  	_ = 	snop  }
__scs_overlays_trampoline_lowered:
0x8: {  	[smem:$0x3FAB] =	sst s0  }
0x9: {  	[smem:$0x3FAC] =	sst s1  }
0xa: {  	[smem:$0x3FAD] =	sst s2  }
0xb: {  	[smem:$0x3FAE] =	sst s3  }
0xc: {  	[smem:$0x3FAF] =	sst s4  }
0xd: {  	[smem:$0x3FB0] =	sst s5  }
0xe: {  	[smem:$0x3FB1] =	sst s6  }
0xf: {  	[smem:$0x3FB2] =	sst s7  }
0x10: {  	[smem:$0x3FB3] =	sst s8  }
0x11: {  	[smem:$0x3FB4] =	sst s9;
	s0 =	simm.s32 @!p0 $0x0  }
0x12: {  	s1 =	sld [smem:$0x3F9A];
	s0 =	simm.s32 @p0 $0x1  }
0x13: {  	[smem:$0x3FB5] =	sst s0;
	s0 =	simm.s32 @!p1 $0x0  }
0x14: {  	s2 =	sld [smem:$0x3F99];
	s0 =	simm.s32 @p1 $0x1  }
0x15: {  	[smem:$0x3FB6] =	sst s0;
	s0 =	simm.s32 @!p2 $0x0  }
0x16: {  	s3 =	sld [smem:$0x3FDB];
	s0 =	simm.s32 @p2 $0x1  }
0x17: {  	s4 =	simm.s32 $0x1BF5;
	[smem:$0x3FB8] =	sst s0  }
0x18: {  	s0 =	sld [smem:$0x3F9B];
	_ =	swait.ge [sflag:s4], $0x0  }
0x19: {  	s7 =	sld [smem:$0x3F9C]  }
0x1a: {  	s8 =	sadd.s32 $0xFFFFE003, lr  }
0x1b: {  	s9 =	sadd.s32 $0xFFFFFEF7, lr;
	s5 =	simm.s32 $0xFFFFFFFF;
	p2 =	slt.u32 s8, $0xFFFFF086  }
0x1c: {  	p1 =	slt.u32 s9, $0xF7A;
	s5 =	simm.s32 @!p2 $0x0  }
0x1d: {  	s5 =	simm.s32 @p1 $0x1;
	p0 =	seq.s32 s7, s2  }
0x1e: {  	s7 =	smul.u32 @!p0 $0xF7A, s2;
	p2 =	seq.s32 @!p0 s5, $0x0  }
0x1f: {  	s9 =	smul.u32 $0xF7A, s1;
	s8 =	simm.s32 @!p0 $0x1BF5;
	p2 =	por !p2, p0  }
0x20: {  	[sflag:s8] =	ssyncset.s32 @!p0 $0xFFFFF086;
	s6 =	sadd.s32 @!p0 s3, s7;
	s7 =	simm.s32 @!p0 $0x108  }
0x21: {  	s3 =	sadd.s32 s3, s9;
	s6 =	sadd.s32 @!p0 $0x88, s6;
	s7 =	simm.s32 @p2 $0x1082  }
0x22: {  	[simem:s7], [sflag:s8] =	dma.local @!p0 [hbm:s6], $0xF7A  }
0x23: {  	s9 =	sor.u32 $0xD0000000, s2;
	s6 =	simm.s32 $0x108;
	_ =	swait.ge @!p0 [sflag:s8], $0x0  }
0x24: {  	s3 =	sadd.s32 $0x88, s3;
	s6 =	simm.s32 @!p1 $0x1082;
	[sflag:s4] =	ssyncset.s32 $0xFFFFF086  }
0x25: {  	[simem:s6], [sflag:s4] =	dma.local [hbm:s3], $0xF7A  }
0x26: {  	[smem:$0x3F9C] =	sst s1;
	(tag) =	ssettag s2;
	_ =	strace s9  }
0x27: {  	s1 =	sld [smem:$0x3FAC]  }
0x28: {  	s2 =	sld [smem:$0x3FAD]  }
0x29: {  	s4 =	sld [smem:$0x3FAF]  }
0x2a: {  	p0 =	seq.s32 s5, $0x0;
	s5 =	sld [smem:$0x3FB0]  }
0x2b: {  	s6 =	sld [smem:$0x3FB1]  }
0x2c: {  	s7 =	sld [smem:$0x3FB2]  }
0x2d: {  	s3 =	simm.s32 $0x108;
	s8 =	sld [smem:$0x3FB3]  }
0x2e: {  	s3 =	simm.s32 @!p0 $0x1082;
	s9 =	sld [smem:$0x3FB4]  }
0x2f: {  	lr =	sadd.s32 s0, s3;
	s0 =	sld [smem:$0x3FAB]  }
0x30: {  	s3 =	sld [smem:$0x3FAE]  }
0x31: {  	[smem:$0x3FB7] =	sst s10  }
0x32: {  	s10 =	sld [smem:$0x3FB5];
	_ =	sdelay $0x3  }
0x33: {  	p0 =	seq.s32 s10, $0x1;
	s10 =	sld [smem:$0x3FB7];
	_ =	sdelay $0x3  }
0x34: {  	[smem:$0x3FB7] =	sst s10  }
0x35: {  	s10 =	sld [smem:$0x3FB6];
	_ =	sdelay $0x3  }
0x36: {  	p1 =	seq.s32 s10, $0x1;
	s10 =	sld [smem:$0x3FB7];
	_ =	sdelay $0x3  }
0x37: {  	[smem:$0x3FB7] =	sst s10  }
0x38: {  	s10 =	sld [smem:$0x3FB8]  }
0x39: {  	_ = 	snop;
	(pc) =	sbr.ind lr, $3  }
0x3a: {  	_ = 	snop  }
0x3b: {  	_ = 	snop  }
0x3c: {  	p2 =	seq.s32 s10, $0x1;
	s10 =	sld [smem:$0x3FB7]  }
0x3d: {  	_ =	shalt  }
0x3e: {  	_ =	shalt  }
0x3f: {  	_ =	shalt  }
0x40: {  	_ =	shalt  }
0x41: {  	_ =	shalt  }
0x42: {  	_ =	shalt  }
0x43: {  	_ =	shalt  }
0x44: {  	_ =	shalt  }
0x45: {  	_ =	shalt  }
0x46: {  	_ =	shalt  }
0x47: {  	_ =	shalt  }
0x48: {  	_ =	shalt  }
0x49: {  	_ =	shalt  }
0x4a: {  	_ =	shalt  }
0x4b: {  	_ =	shalt  }
0x4c: {  	_ =	shalt  }
0x4d: {  	_ =	shalt  }
0x4e: {  	_ =	shalt  }
0x4f: {  	_ =	shalt  }
0x50: {  	_ =	shalt  }
0x51: {  	_ =	shalt  }
0x52: {  	_ =	shalt  }
0x53: {  	_ =	shalt  }
0x54: {  	_ =	shalt  }
0x55: {  	_ =	shalt  }
0x56: {  	_ =	shalt  }
0x57: {  	_ =	shalt  }
0x58: {  	_ =	shalt  }
0x59: {  	_ =	shalt  }
0x5a: {  	_ =	shalt  }
0x5b: {  	_ =	shalt  }
0x5c: {  	_ =	shalt  }
0x5d: {  	_ =	shalt  }
0x5e: {  	_ =	shalt  }
0x5f: {  	_ =	shalt  }
0x60: {  	_ =	shalt  }
0x61: {  	_ =	shalt  }
0x62: {  	_ =	shalt  }
0x63: {  	_ =	shalt  }
0x64: {  	_ =	shalt  }
0x65: {  	_ =	shalt  }
0x66: {  	_ =	shalt  }
0x67: {  	_ =	shalt  }
0x68: {  	_ =	shalt  }
0x69: {  	_ =	shalt  }
0x6a: {  	_ =	shalt  }
0x6b: {  	_ =	shalt  }
0x6c: {  	_ =	shalt  }
0x6d: {  	_ =	shalt  }
0x6e: {  	_ =	shalt  }
0x6f: {  	_ =	shalt  }
0x70: {  	_ =	shalt  }
0x71: {  	_ =	shalt  }
0x72: {  	_ =	shalt  }
0x73: {  	_ =	shalt  }
0x74: {  	_ =	shalt  }
0x75: {  	_ =	shalt  }
0x76: {  	_ =	shalt  }
0x77: {  	_ =	shalt  }
0x78: {  	_ =	shalt  }
0x79: {  	_ =	shalt  }
0x7a: {  	_ =	shalt  }
0x7b: {  	_ =	shalt  }
0x7c: {  	_ =	shalt  }
0x7d: {  	_ =	shalt  }
0x7e: {  	_ =	shalt  }
0x7f: {  	_ =	shalt  }
0x80: {  	_ =	shalt  }
0x81: {  	_ =	shalt  }
0x82: {  	_ =	shalt  }
0x83: {  	_ =	shalt  }
0x84: {  	_ =	shalt  }
0x85: {  	_ =	shalt  }
0x86: {  	_ =	shalt  }
0x87: {  	_ =	shalt  }
.Lfunc_end0:
.L_simem_size_0:
called_computation_lowered:
.L_overlay_start_0:
0x88: {  	s2 =	sld [smem:$0x3FD9]  }
0x89: {  	s3 =	sld [smem:$0x3FFE];
	_ =	sdelay $0x1  }
0x8a: {  	s1 =	srdreg.scid  }
0x8b: {  	s0 =	sand.u32 $0x1, s1  }
0x8c: {  	s17 =	sshll.u32 s0, $0xA;
	s2 =	sadd.s32 s3, s2  }
0x8d: {  	s2 =	sadd.s32 s2, s17  }
0x8e: {  	[smem:$0x3FC3] =	sst s2  }
0x8f: {  	_ = 	snop  }
0x90: {  	s2 =	sld [smem:$0x3FC9]  }
0x91: {  	s18 =	sld [smem:$0x3FC8]  }
0x92: {  	s4 =	sld [smem:$0x3FD0];
	(tm) =	ssettm $0x1  }
0x93: {  	s5 =	sld [smem:$0x3FFB];
	_ =	sdelay $0x3  }
0x94: {  	_ =	strace s5  }
0x95: {  	s5 =	sld [smem:$0x3FFC];
	_ =	sdelay $0x3  }
0x96: {  	_ =	strace s5  }
0x97: {  	s5 =	sld [smem:$0x3FFD];
	_ =	sdelay $0x3  }
0x98: {  	_ =	strace s5  }
0x99: {  	_ =	strace $0x8FFFFFFF  }
0x9a: {  	s19 =	sld [smem:$0x3FDB];
	_ =	sdelay $0x1  }
0x9b: {  	s6 =	simm.s32 $_scs_section_size  }
0x9c: {  	s7 =	simm.s32 $_size__tile_overlayer_lowered;
	s8 =	simm.s32 $_tile_overlayer_lowered  }
0x9d: {  	s22 =	simm.s32 $0x1BFF;
	s21 =	sshll.u32 s8, $0x1;
	s5 =	sadd.s32 s6, s19  }
0x9e: {  	s9 =	simm.s32 $0x0;
	s20 =	sshll.u32 s7, $0x1;
	s7 =	sadd.s32 s21, s5  }
0x9f: {  	[timem:s9], [sflag:s22] =	dma.local [hbm:s7], s20  }
0xa0: {  	_ =	swait.ge [sflag:s22], s20  }
0xa1: {  	s6 =	ssub.s32 $0x0, s20;
	[sflag:s22] =	ssyncset.done $0x0  }
0xa2: {  	[sflag:s22] =	ssyncadd.s32 s6;
	_ =	sdelay $0x1  }
0xa3: {  	s23 =	simm.s32 $0x1B8B  }
0xa4: {  	_ =	swait.ge [sflag:s23], $0x1  }
0xa5: {  	[sflag:s23] =	ssyncset.done $0x0  }
0xa6: {  	s25 =	simm.s32 $0x1B8E;
	s24 =	sld [smem:$0x3FFE];
	[sflag:s23] =	ssyncadd.s32 $0xFFFFFFFF  }
0xa7: {  	s26 =	simm.s32 $execute0_lowered;
	[smem:$0x3FD2] =	sst s25  }
0xa8: {  	s7 =	sshll.u32 s26, $0x1;
	_ =	strace $0x80000046;
	[dreg:$0x1] =	wrdreg $0xFFFFFFFF  }
0xa9: {  	s28 =	simm.s32 $_size_execute0_lowered;
	s5 =	sadd.s32 s5, s7;
	[dreg:$0x0] =	wrdreg $0x0  }
0xaa: {  	s7 =	sshll.u32 s28, $0x1;
	[dreg:$0x2] =	wrdreg s5  }
0xab: {  	[dreg:$0x3] =	wrdreg s7  }
0xac: {  	[dreg:$0x4] =	wrdreg $0xC0  }
0xad: {  	_ =	task [dreg:s9], $0x5FFFF  }
0xae: {  	[dreg:$0x1] =	wrdreg $0xFFFFFFFF  }
0xaf: {  	[dreg:$0x0] =	wrdreg $0x60  }
0xb0: {  	[dreg:$0x2] =	wrdreg s2  }
0xb1: {  	[dreg:$0x3] =	wrdreg s18  }
0xb2: {  	[dreg:$0x4] =	wrdreg s24  }
0xb3: {  	[dreg:$0x5] =	wrdreg s4  }
0xb4: {  	[dreg:$0x6] =	wrdreg $0x9  }
0xb5: {  	_ =	task.clear_ibuf [dreg:s9], $0x7FFFF;
	_ =	strace $0x90000046  }
0xb6: {  	s29 =	simm.s32 $0x9;
	_ =	strace $0x80000048  }
0xb7: {  	_ =	swait.ge [sflag:s29], $0x1  }
0xb8: {  	[sflag:s29] =	ssyncadd.s32 $0xFFFFFFFF  }
0xb9: {  	_ =	strace $0x90000048  }
0xba: {  	_ =	sfence  }
0xbb: {  	s30 =	sld [smem:$0x0];
	_ =	sdelay $0x2  }
0xbc: {  	s31 =	sshll.u32 s1, $0xD;
	s1 =	sshrl.u32 s1, $0x2  }
0xbd: {  	s3 =	sand.u32 $0x4000, s31;
	s1 =	sadd.s32 s1, s30  }
0xbe: {  	s0 =	sor.u32 s3, s0;
	s1 =	sshll.u32 s1, $0x11  }
0xbf: {  	s0 =	sor.u32 s1, s0  }
0xc0: {  	s0 =	sadd.s32 $0x8F2B, s0  }
0xc1: {  	[sflag:s0] =	ssyncadd.remote.s32 $0x1  }
0xc2: {  	_ =	sfence.sel $0xFFFF  }
0xc3: {  	[dreg:$0x0] =	wrdreg $0xFFFFFFFF;
	(pc) =	sbr.abs _section_cstart, $3  }
0xc4: {  	[dreg:$0x1] =	wrdreg $0xFFFFFFFF  }
0xc5: {  	_ =	task.clear_ibuf [dreg:s9], $0x2FFFF;
	_ =	strace $0x9FFFFFFF  }
0xc6: {  	(tm) =	ssettm $0x7FFFFFFF  }
0xc7: {  	_ =	shalt  }
tec
execute0_lowered:
.L_overlay_start_1:
0x0: {  	(tag) =	ssettag $0x1  }
0x1: {  	s0 =	rddreg [dreg:$0x0]  }
0x2: {  	s6 =	rddreg [dreg:$0x1]  }
0x3: {  	s1 =	rddreg [dreg:$0x2]  }
0x4: {  	s7 =	rddreg [dreg:$0x3]  }
0x5: {  	s3 =	simm.s32 $0x0;
	s4 =	srdreg.scid;
	s2 =	stileid.u32  }
0x6: {  	s11 =	simm.s32 $0x80;
	s12 =	simm.s32 $0x400;
	s13 =	simm.s32 $0x480  }
0x7: {  	s14 =	simm.s32 $0x100;
	s15 =	simm.s32 $0x500;
	s16 =	simm.s32 $0x180  }
0x8: {  	s17 =	simm.s32 $0x580;
	s18 =	simm.s32 $0x600;
	s19 =	simm.s32 $0x800  }
0x9: {  	s20 =	simm.s32 $0x280;
	s21 =	simm.s32 $0x680;
	s22 =	simm.s32 $0x880  }
0xa: {  	s23 =	simm.s32 $0x300;
	s24 =	simm.s32 $0x700;
	s25 =	simm.s32 $0x900  }
0xb: {  	s26 =	simm.s32 $0x380;
	s28 =	simm.s32 $0x780;
	s29 =	simm.s32 $0x980  }
0xc: {  	s30 =	simm.s32 $0x1;
	s31 =	simm.s32 $0xA00;
	[smem:$0x7FF] =	sst s3  }
0xd: {  	s4 =	sand.u32 $0x1, s4;
	s5 =	sshll.u32 s2, $0x7;
	_ =	strace $0x80000047  }
0xe: {  	s8 =	ssub.s32 $0x2, s4;
	s9 =	sshll.u32 s4, $0x6;
	s4 =	sadd.s32 $0x6400, s1  }
0xf: {  	s10 =	sshrl.u32 s8, $0x1;
	s9 =	sor.u32 s9, s5;
	s5 =	sadd.s32 $0x3200, s1  }
0x10: {  	s8 =	ssub.s32 s8, s10;
	s0 =	sadd.s32 s0, s9;
	s6 =	sadd.s32 s6, s9  }
0x11: {  	s7 =	sadd.s32 s7, s9;
	s9 =	simm.s32 $0x200;
	s10 =	simm.s32 $0x2  }
0x12: {  	[dreg:$0x5] =	wrdreg s0;
	s8 =	smax.u32 s8, $0x1;
	s0 =	simm.s32 $0x3  }
.LBB2_1:
0x13: {  	s2 =	rddreg [dreg:$0x5]  }
0x14: {  	[tilespmem:s3], [sflag:$0x2] =	stream.linear.gather [hbm4b:s2+s3], $0x200, $0x38;
	[tilespmem:$0xC00] =	vst v63  }
0x15: {  	_ = 	snop  }
0x16: {  	[tilespmem:s9], [sflag:$0x2] =	stream.linear.gather [hbm4b:s6+s3], $0x200, $0x38;
	[tilespmem:$0xC00] =	vst v63  }
0x17: {  	_ =	swait.ge [sflag:s10], $0x200  }
0x18: {  	[sflag:s10] =	ssyncset.done $0x0  }
0x19: {  	[sflag:s10] =	ssyncadd.s32 $0xFFFFFE00  }
0x1a: {  	[tilespmem:s12], [sflag:$0x1] =	stream.indirect.gather [hbm4b:s4+s11], $0x1, s3, s11, $0xb8;
	[tilespmem:$0xC00] =	vst v63  }
0x1b: {  	_ = 	snop  }
0x1c: {  	[tilespmem:s13], [sflag:$0x1] =	stream.indirect.gather [hbm4b:s4+s11], $0x1, s11, s11, $0xb8;
	[tilespmem:$0xC00] =	vst v63  }
0x1d: {  	_ = 	snop  }
0x1e: {  	[tilespmem:s15], [sflag:$0x1] =	stream.indirect.gather [hbm4b:s4+s11], $0x1, s14, s11, $0xb8;
	[tilespmem:$0xC00] =	vst v63  }
0x1f: {  	_ = 	snop  }
0x20: {  	[tilespmem:s17], [sflag:$0x1] =	stream.indirect.gather [hbm4b:s4+s11], $0x1, s16, s11, $0xb8;
	[tilespmem:$0xC00] =	vst v63  }
0x21: {  	_ =	swait.ge [sflag:s10], $0x200  }
0x22: {  	[sflag:s10] =	ssyncset.done $0x0  }
0x23: {  	[sflag:s10] =	ssyncadd.s32 $0xFFFFFE00  }
0x24: {  	[tilespmem:s18], [sflag:$0x1] =	stream.indirect.gather [hbm4b:s1+s11], $0x1, s9, s11, $0xb8;
	[tilespmem:$0xC00] =	vst v63  }
0x25: {  	_ = 	snop  }
0x26: {  	[tilespmem:s19], [sflag:$0x1] =	stream.indirect.gather [hbm4b:s5+s11], $0x1, s9, s11, $0xb8;
	[tilespmem:$0xC00] =	vst v63  }
0x27: {  	_ = 	snop  }
0x28: {  	[tilespmem:s21], [sflag:$0x1] =	stream.indirect.gather [hbm4b:s1+s11], $0x1, s20, s11, $0xb8;
	[tilespmem:$0xC00] =	vst v63  }
0x29: {  	_ = 	snop  }
0x2a: {  	[tilespmem:s22], [sflag:$0x1] =	stream.indirect.gather [hbm4b:s5+s11], $0x1, s20, s11, $0xb8;
	[tilespmem:$0xC00] =	vst v63  }
0x2b: {  	_ = 	snop  }
0x2c: {  	[tilespmem:s24], [sflag:$0x1] =	stream.indirect.gather [hbm4b:s1+s11], $0x1, s23, s11, $0xb8;
	[tilespmem:$0xC00] =	vst v63  }
0x2d: {  	_ = 	snop  }
0x2e: {  	[tilespmem:s25], [sflag:$0x1] =	stream.indirect.gather [hbm4b:s5+s11], $0x1, s23, s11, $0xb8;
	[tilespmem:$0xC00] =	vst v63  }
0x2f: {  	_ = 	snop  }
0x30: {  	[tilespmem:s28], [sflag:$0x1] =	stream.indirect.gather [hbm4b:s1+s11], $0x1, s26, s11, $0xb8;
	[tilespmem:$0xC00] =	vst v63  }
0x31: {  	_ = 	snop  }
0x32: {  	[tilespmem:s29], [sflag:$0x1] =	stream.indirect.gather [hbm4b:s5+s11], $0x1, s26, s11, $0xb8;
	[tilespmem:$0xC00] =	vst v63  }
0x33: {  	_ =	swait.ge [sflag:s30], $0x80  }
0x34: {  	[sflag:s30] =	ssyncset.done $0x0  }
0x35: {  	[sflag:s30] =	ssyncadd.s32 $0xFFFFFF80  }
0x36: {  	_ =	swait.ge [sflag:s30], $0x80  }
0x37: {  	[sflag:s30] =	ssyncset.done $0x0  }
0x38: {  	[sflag:s30] =	ssyncadd.s32 $0xFFFFFF80  }
0x39: {  	_ =	swait.ge [sflag:s30], $0x80  }
0x3a: {  	[sflag:s30] =	ssyncset.done $0x0  }
0x3b: {  	[sflag:s30] =	ssyncadd.s32 $0xFFFFFF80  }
0x3c: {  	_ =	swait.ge [sflag:s30], $0x80  }
0x3d: {  	[sflag:s30] =	ssyncset.done $0x0  }
0x3e: {  	[sflag:s30] =	ssyncadd.s32 $0xFFFFFF80  }
0x3f: {  	_ =	swait.ge [sflag:s30], $0x80  }
0x40: {  	[sflag:s30] =	ssyncset.done $0x0  }
0x41: {  	[sflag:s30] =	ssyncadd.s32 $0xFFFFFF80  }
0x42: {  	_ =	swait.ge [sflag:s30], $0x80  }
0x43: {  	[sflag:s30] =	ssyncset.done $0x0  }
0x44: {  	[sflag:s30] =	ssyncadd.s32 $0xFFFFFF80  }
0x45: {  	_ =	swait.ge [sflag:s30], $0x80  }
0x46: {  	[sflag:s30] =	ssyncset.done $0x0  }
0x47: {  	[sflag:s30] =	ssyncadd.s32 $0xFFFFFF80  }
0x48: {  	_ =	swait.ge [sflag:s30], $0x80  }
0x49: {  	[sflag:s30] =	ssyncset.done $0x0  }
0x4a: {  	[sflag:s30] =	ssyncadd.s32 $0xFFFFFF80  }
0x4b: {  	_ =	swait.ge [sflag:s30], $0x80  }
0x4c: {  	[sflag:s30] =	ssyncset.done $0x0  }
0x4d: {  	[sflag:s30] =	ssyncadd.s32 $0xFFFFFF80  }
0x4e: {  	_ =	swait.ge [sflag:s30], $0x80  }
0x4f: {  	[sflag:s30] =	ssyncset.done $0x0  }
0x50: {  	[sflag:s30] =	ssyncadd.s32 $0xFFFFFF80  }
0x51: {  	_ =	swait.ge [sflag:s30], $0x80  }
0x52: {  	[sflag:s30] =	ssyncset.done $0x0  }
0x53: {  	[sflag:s30] =	ssyncadd.s32 $0xFFFFFF80  }
0x54: {  	_ =	swait.ge [sflag:s30], $0x80  }
0x55: {  	[sflag:s30] =	ssyncset.done $0x0  }
0x56: {  	[sflag:s30] =	ssyncadd.s32 $0xFFFFFF80  }
0x57: {  	v0 =	vld [tilespmem:$0x600];
	_ =	sdelay $0x4  }
0x58: {  	v0 =	vsub.f32 $0.0e+00, v0;
	_ =	sdelay $0x1  }
0x59: {  	v0 =	vmul.f32 $1.442695020e+00, v0;
	_ =	sdelay $0x1  }
0x5a: {  	(erf) = vpow2.f32 v0;
	_ =	sdelay $0x8  }
0x5b: {  	v0 =	vpop (erf)  }
0x5c: {  	v0 =	vadd.f32 $1.000000000e+00, v0;
	_ =	sdelay $0x1  }
0x5d: {  	v1 =	vld [tilespmem:$0x400];
	(erf) = vrcp.f32 v0  }
0x5e: {  	v37 =	vld [tilespmem:$0x800];
	_ =	sdelay $0x4  }
0x5f: {  	v0 =	vsub.f32 v1, v37;
	_ =	sdelay $0x1  }
0x60: {  	v0 =	vmul.f32 $3.400000100e+00, v0  }
0x61: {  	v38 =	vpop (erf)  }
0x62: {  	v0 =	vmul.f32 v38, v0;
	_ =	sdelay $0x1  }
0x63: {  	v0 =	vsub.f32 $0.0e+00, v0;
	_ =	sdelay $0x1  }
0x64: {  	v0 =	vmul.f32 $1.442695020e+00, v0;
	_ =	sdelay $0x1  }
0x65: {  	(erf) = vpow2.f32 v0;
	_ =	sdelay $0x3  }
0x66: {  	v39 =	vld [tilespmem:$0x610];
	_ =	sdelay $0x4  }
0x67: {  	v0 =	vsub.f32 $0.0e+00, v39;
	v40 =	vpop (erf)  }
0x68: {  	v1 =	vadd.f32 $1.000000000e+00, v40  }
0x69: {  	v0 =	vmul.f32 $1.442695020e+00, v0  }
0x6a: {  	(erf) = vrcp.f32 v1  }
0x6b: {  	(erf) = vpow2.f32 v0;
	_ =	sdelay $0x7  }
0x6c: {  	v0 =	vpop (erf)  }
0x6d: {  	v41 =	vpop (erf)  }
0x6e: {  	v1 =	vadd.f32 $1.000000000e+00, v41;
	_ =	sdelay $0x1  }
0x6f: {  	v2 =	vld [tilespmem:$0x410];
	(erf) = vrcp.f32 v1  }
0x70: {  	v42 =	vld [tilespmem:$0x810];
	_ =	sdelay $0x4  }
0x71: {  	v1 =	vsub.f32 v2, v42;
	_ =	sdelay $0x1  }
0x72: {  	v1 =	vmul.f32 $3.400000100e+00, v1  }
0x73: {  	v43 =	vpop (erf)  }
0x74: {  	v1 =	vmul.f32 v43, v1;
	_ =	sdelay $0x1  }
0x75: {  	v1 =	vsub.f32 $0.0e+00, v1;
	_ =	sdelay $0x1  }
0x76: {  	v1 =	vmul.f32 $1.442695020e+00, v1;
	_ =	sdelay $0x1  }
0x77: {  	(erf) = vpow2.f32 v1;
	_ =	sdelay $0x3  }
0x78: {  	v44 =	vld [tilespmem:$0x620];
	_ =	sdelay $0x4  }
0x79: {  	v1 =	vsub.f32 $0.0e+00, v44;
	v45 =	vpop (erf)  }
0x7a: {  	v2 =	vadd.f32 $1.000000000e+00, v45  }
0x7b: {  	v1 =	vmul.f32 $1.442695020e+00, v1  }
0x7c: {  	(erf) = vrcp.f32 v2  }
0x7d: {  	(erf) = vpow2.f32 v1;
	_ =	sdelay $0x7  }
0x7e: {  	v1 =	vpop (erf)  }
0x7f: {  	v46 =	vpop (erf)  }
0x80: {  	v2 =	vadd.f32 $1.000000000e+00, v46;
	_ =	sdelay $0x1  }
0x81: {  	v3 =	vld [tilespmem:$0x420];
	(erf) = vrcp.f32 v2  }
0x82: {  	v47 =	vld [tilespmem:$0x820];
	_ =	sdelay $0x4  }
0x83: {  	v2 =	vsub.f32 v3, v47;
	_ =	sdelay $0x1  }
0x84: {  	v2 =	vmul.f32 $3.400000100e+00, v2  }
0x85: {  	v48 =	vpop (erf)  }
0x86: {  	v2 =	vmul.f32 v48, v2;
	_ =	sdelay $0x1  }
0x87: {  	v2 =	vsub.f32 $0.0e+00, v2;
	_ =	sdelay $0x1  }
0x88: {  	v2 =	vmul.f32 $1.442695020e+00, v2;
	_ =	sdelay $0x1  }
0x89: {  	(erf) = vpow2.f32 v2;
	_ =	sdelay $0x3  }
0x8a: {  	v49 =	vld [tilespmem:$0x630];
	_ =	sdelay $0x4  }
0x8b: {  	v2 =	vsub.f32 $0.0e+00, v49;
	v50 =	vpop (erf)  }
0x8c: {  	v3 =	vadd.f32 $1.000000000e+00, v50  }
0x8d: {  	v2 =	vmul.f32 $1.442695020e+00, v2  }
0x8e: {  	(erf) = vrcp.f32 v3  }
0x8f: {  	(erf) = vpow2.f32 v2;
	_ =	sdelay $0x7  }
0x90: {  	v2 =	vpop (erf)  }
0x91: {  	v51 =	vpop (erf)  }
0x92: {  	v3 =	vadd.f32 $1.000000000e+00, v51;
	_ =	sdelay $0x1  }
0x93: {  	v4 =	vld [tilespmem:$0x430];
	(erf) = vrcp.f32 v3  }
0x94: {  	v52 =	vld [tilespmem:$0x830];
	_ =	sdelay $0x4  }
0x95: {  	v3 =	vsub.f32 v4, v52;
	_ =	sdelay $0x1  }
0x96: {  	v3 =	vmul.f32 $3.400000100e+00, v3  }
0x97: {  	v53 =	vpop (erf)  }
0x98: {  	v3 =	vmul.f32 v53, v3;
	_ =	sdelay $0x1  }
0x99: {  	v3 =	vsub.f32 $0.0e+00, v3;
	_ =	sdelay $0x1  }
0x9a: {  	v3 =	vmul.f32 $1.442695020e+00, v3;
	_ =	sdelay $0x1  }
0x9b: {  	(erf) = vpow2.f32 v3;
	_ =	sdelay $0x3  }
0x9c: {  	v54 =	vld [tilespmem:$0x640];
	_ =	sdelay $0x4  }
0x9d: {  	v3 =	vsub.f32 $0.0e+00, v54;
	v55 =	vpop (erf)  }
0x9e: {  	v4 =	vadd.f32 $1.000000000e+00, v55  }
0x9f: {  	v3 =	vmul.f32 $1.442695020e+00, v3  }
0xa0: {  	(erf) = vrcp.f32 v4  }
0xa1: {  	(erf) = vpow2.f32 v3;
	_ =	sdelay $0x7  }
0xa2: {  	v3 =	vpop (erf)  }
0xa3: {  	v56 =	vpop (erf)  }
0xa4: {  	v4 =	vadd.f32 $1.000000000e+00, v56;
	_ =	sdelay $0x1  }
0xa5: {  	v5 =	vld [tilespmem:$0x440];
	(erf) = vrcp.f32 v4  }
0xa6: {  	v57 =	vld [tilespmem:$0x840];
	_ =	sdelay $0x4  }
0xa7: {  	v4 =	vsub.f32 v5, v57;
	_ =	sdelay $0x1  }
0xa8: {  	v4 =	vmul.f32 $3.400000100e+00, v4  }
0xa9: {  	v58 =	vpop (erf)  }
0xaa: {  	v4 =	vmul.f32 v58, v4;
	_ =	sdelay $0x1  }
0xab: {  	v4 =	vsub.f32 $0.0e+00, v4;
	_ =	sdelay $0x1  }
0xac: {  	v4 =	vmul.f32 $1.442695020e+00, v4;
	_ =	sdelay $0x1  }
0xad: {  	(erf) = vpow2.f32 v4;
	_ =	sdelay $0x3  }
0xae: {  	v59 =	vld [tilespmem:$0x650];
	_ =	sdelay $0x4  }
0xaf: {  	v4 =	vsub.f32 $0.0e+00, v59;
	v60 =	vpop (erf)  }
0xb0: {  	v5 =	vadd.f32 $1.000000000e+00, v60  }
0xb1: {  	v4 =	vmul.f32 $1.442695020e+00, v4  }
0xb2: {  	(erf) = vrcp.f32 v5  }
0xb3: {  	(erf) = vpow2.f32 v4;
	_ =	sdelay $0x7  }
0xb4: {  	v4 =	vpop (erf)  }
0xb5: {  	v61 =	vpop (erf)  }
0xb6: {  	v5 =	vadd.f32 $1.000000000e+00, v61;
	_ =	sdelay $0x1  }
0xb7: {  	v6 =	vld [tilespmem:$0x450];
	(erf) = vrcp.f32 v5  }
0xb8: {  	v62 =	vld [tilespmem:$0x850];
	_ =	sdelay $0x4  }
0xb9: {  	v5 =	vsub.f32 v6, v62;
	_ =	sdelay $0x1  }
0xba: {  	v5 =	vmul.f32 $3.400000100e+00, v5  }
0xbb: {  	v63 =	vpop (erf)  }
0xbc: {  	v5 =	vmul.f32 v63, v5;
	_ =	sdelay $0x1  }
0xbd: {  	v5 =	vsub.f32 $0.0e+00, v5;
	_ =	sdelay $0x1  }
0xbe: {  	v5 =	vmul.f32 $1.442695020e+00, v5;
	_ =	sdelay $0x1  }
0xbf: {  	(erf) = vpow2.f32 v5;
	_ =	sdelay $0x3  }
0xc0: {  	v9 =	vld [tilespmem:$0x660];
	_ =	sdelay $0x4  }
0xc1: {  	v5 =	vsub.f32 $0.0e+00, v9;
	v10 =	vpop (erf)  }
0xc2: {  	v6 =	vadd.f32 $1.000000000e+00, v10  }
0xc3: {  	v5 =	vmul.f32 $1.442695020e+00, v5  }
0xc4: {  	(erf) = vrcp.f32 v6  }
0xc5: {  	(erf) = vpow2.f32 v5;
	_ =	sdelay $0x7  }
0xc6: {  	v5 =	vpop (erf)  }
0xc7: {  	v11 =	vpop (erf)  }
0xc8: {  	v6 =	vadd.f32 $1.000000000e+00, v11;
	_ =	sdelay $0x1  }
0xc9: {  	v7 =	vld [tilespmem:$0x460];
	(erf) = vrcp.f32 v6  }
0xca: {  	v12 =	vld [tilespmem:$0x860];
	_ =	sdelay $0x4  }
0xcb: {  	v6 =	vsub.f32 v7, v12;
	_ =	sdelay $0x1  }
0xcc: {  	v6 =	vmul.f32 $3.400000100e+00, v6  }
0xcd: {  	v13 =	vpop (erf)  }
0xce: {  	v6 =	vmul.f32 v13, v6;
	_ =	sdelay $0x1  }
0xcf: {  	v6 =	vsub.f32 $0.0e+00, v6;
	_ =	sdelay $0x1  }
0xd0: {  	v6 =	vmul.f32 $1.442695020e+00, v6;
	_ =	sdelay $0x1  }
0xd1: {  	(erf) = vpow2.f32 v6;
	_ =	sdelay $0x3  }
0xd2: {  	v14 =	vld [tilespmem:$0x670];
	_ =	sdelay $0x4  }
0xd3: {  	v6 =	vsub.f32 $0.0e+00, v14;
	v15 =	vpop (erf)  }
0xd4: {  	v7 =	vadd.f32 $1.000000000e+00, v15  }
0xd5: {  	v6 =	vmul.f32 $1.442695020e+00, v6  }
0xd6: {  	(erf) = vrcp.f32 v7  }
0xd7: {  	(erf) = vpow2.f32 v6;
	_ =	sdelay $0x7  }
0xd8: {  	v6 =	vpop (erf)  }
0xd9: {  	v16 =	vpop (erf)  }
0xda: {  	v7 =	vadd.f32 $1.000000000e+00, v16;
	_ =	sdelay $0x1  }
0xdb: {  	v8 =	vld [tilespmem:$0x470];
	(erf) = vrcp.f32 v7  }
0xdc: {  	v17 =	vld [tilespmem:$0x870];
	_ =	sdelay $0x4  }
0xdd: {  	v7 =	vsub.f32 v8, v17;
	_ =	sdelay $0x1  }
0xde: {  	v7 =	vmul.f32 $3.400000100e+00, v7  }
0xdf: {  	v18 =	vpop (erf)  }
0xe0: {  	v7 =	vmul.f32 v18, v7;
	_ =	sdelay $0x1  }
0xe1: {  	v7 =	vsub.f32 $0.0e+00, v7;
	_ =	sdelay $0x1  }
0xe2: {  	v7 =	vmul.f32 $1.442695020e+00, v7;
	_ =	sdelay $0x1  }
0xe3: {  	(erf) = vpow2.f32 v7;
	_ =	sdelay $0x3  }
0xe4: {  	v19 =	vld [tilespmem:$0x680];
	_ =	sdelay $0x4  }
0xe5: {  	v7 =	vsub.f32 $0.0e+00, v19;
	v20 =	vpop (erf)  }
0xe6: {  	v8 =	vadd.f32 $1.000000000e+00, v20  }
0xe7: {  	v7 =	vmul.f32 $1.442695020e+00, v7  }
0xe8: {  	(erf) = vrcp.f32 v8  }
0xe9: {  	(erf) = vpow2.f32 v7;
	_ =	sdelay $0x7  }
0xea: {  	v7 =	vpop (erf)  }
0xeb: {  	v21 =	vpop (erf)  }
0xec: {  	v8 =	vadd.f32 $1.000000000e+00, v21;
	_ =	sdelay $0x1  }
0xed: {  	v22 =	vld [tilespmem:$0x880];
	(erf) = vrcp.f32 v8  }
0xee: {  	v9 =	vld [tilespmem:$0x480];
	_ =	sdelay $0x4  }
0xef: {  	v8 =	vsub.f32 v9, v22;
	_ =	sdelay $0x1  }
0xf0: {  	v8 =	vmul.f32 $3.400000100e+00, v8  }
0xf1: {  	v23 =	vpop (erf)  }
0xf2: {  	v8 =	vmul.f32 v23, v8;
	_ =	sdelay $0x1  }
0xf3: {  	v8 =	vsub.f32 $0.0e+00, v8;
	_ =	sdelay $0x1  }
0xf4: {  	v8 =	vmul.f32 $1.442695020e+00, v8;
	_ =	sdelay $0x1  }
0xf5: {  	(erf) = vpow2.f32 v8;
	_ =	sdelay $0x3  }
0xf6: {  	v24 =	vld [tilespmem:$0x690];
	_ =	sdelay $0x4  }
0xf7: {  	v8 =	vsub.f32 $0.0e+00, v24;
	v25 =	vpop (erf)  }
0xf8: {  	v9 =	vadd.f32 $1.000000000e+00, v25  }
0xf9: {  	v8 =	vmul.f32 $1.442695020e+00, v8  }
0xfa: {  	(erf) = vrcp.f32 v9  }
0xfb: {  	(erf) = vpow2.f32 v8;
	_ =	sdelay $0x7  }
0xfc: {  	v8 =	vpop (erf)  }
0xfd: {  	v26 =	vpop (erf)  }
0xfe: {  	v9 =	vadd.f32 $1.000000000e+00, v26;
	_ =	sdelay $0x1  }
0xff: {  	v27 =	vld [tilespmem:$0x890];
	(erf) = vrcp.f32 v9  }
0x100: {  	v10 =	vld [tilespmem:$0x490];
	_ =	sdelay $0x4  }
0x101: {  	v9 =	vsub.f32 v10, v27;
	_ =	sdelay $0x1  }
0x102: {  	v9 =	vmul.f32 $3.400000100e+00, v9  }
0x103: {  	v28 =	vpop (erf)  }
0x104: {  	v9 =	vmul.f32 v28, v9;
	_ =	sdelay $0x1  }
0x105: {  	v9 =	vsub.f32 $0.0e+00, v9;
	_ =	sdelay $0x1  }
0x106: {  	v9 =	vmul.f32 $1.442695020e+00, v9;
	_ =	sdelay $0x1  }
0x107: {  	(erf) = vpow2.f32 v9;
	_ =	sdelay $0x3  }
0x108: {  	v29 =	vld [tilespmem:$0x6A0];
	_ =	sdelay $0x4  }
0x109: {  	v9 =	vsub.f32 $0.0e+00, v29;
	v30 =	vpop (erf)  }
0x10a: {  	v10 =	vadd.f32 $1.000000000e+00, v30  }
0x10b: {  	v9 =	vmul.f32 $1.442695020e+00, v9  }
0x10c: {  	(erf) = vrcp.f32 v10  }
0x10d: {  	(erf) = vpow2.f32 v9;
	_ =	sdelay $0x7  }
0x10e: {  	v9 =	vpop (erf)  }
0x10f: {  	v31 =	vpop (erf)  }
0x110: {  	v10 =	vadd.f32 $1.000000000e+00, v31;
	_ =	sdelay $0x1  }
0x111: {  	v32 =	vld [tilespmem:$0x8A0];
	(erf) = vrcp.f32 v10  }
0x112: {  	v11 =	vld [tilespmem:$0x4A0];
	_ =	sdelay $0x4  }
0x113: {  	v10 =	vsub.f32 v11, v32;
	_ =	sdelay $0x1  }
0x114: {  	v10 =	vmul.f32 $3.400000100e+00, v10  }
0x115: {  	v33 =	vpop (erf)  }
0x116: {  	v10 =	vmul.f32 v33, v10;
	_ =	sdelay $0x1  }
0x117: {  	v10 =	vsub.f32 $0.0e+00, v10;
	_ =	sdelay $0x1  }
0x118: {  	v10 =	vmul.f32 $1.442695020e+00, v10;
	_ =	sdelay $0x1  }
0x119: {  	(erf) = vpow2.f32 v10;
	_ =	sdelay $0x3  }
0x11a: {  	v34 =	vld [tilespmem:$0x6B0];
	_ =	sdelay $0x4  }
0x11b: {  	v10 =	vsub.f32 $0.0e+00, v34;
	v35 =	vpop (erf)  }
0x11c: {  	v11 =	vadd.f32 $1.000000000e+00, v35  }
0x11d: {  	v10 =	vmul.f32 $1.442695020e+00, v10  }
0x11e: {  	(erf) = vrcp.f32 v11  }
0x11f: {  	(erf) = vpow2.f32 v10;
	_ =	sdelay $0x7  }
0x120: {  	v10 =	vpop (erf)  }
0x121: {  	v36 =	vpop (erf)  }
0x122: {  	v11 =	vadd.f32 $1.000000000e+00, v36;
	_ =	sdelay $0x1  }
0x123: {  	v37 =	vld [tilespmem:$0x8B0];
	(erf) = vrcp.f32 v11  }
0x124: {  	v12 =	vld [tilespmem:$0x4B0];
	_ =	sdelay $0x4  }
0x125: {  	v11 =	vsub.f32 v12, v37;
	_ =	sdelay $0x1  }
0x126: {  	v11 =	vmul.f32 $3.400000100e+00, v11  }
0x127: {  	v38 =	vpop (erf)  }
0x128: {  	v11 =	vmul.f32 v38, v11;
	_ =	sdelay $0x1  }
0x129: {  	v11 =	vsub.f32 $0.0e+00, v11;
	_ =	sdelay $0x1  }
0x12a: {  	v11 =	vmul.f32 $1.442695020e+00, v11;
	_ =	sdelay $0x1  }
0x12b: {  	(erf) = vpow2.f32 v11;
	_ =	sdelay $0x3  }
0x12c: {  	v39 =	vld [tilespmem:$0x6C0];
	_ =	sdelay $0x4  }
0x12d: {  	v11 =	vsub.f32 $0.0e+00, v39;
	v40 =	vpop (erf)  }
0x12e: {  	v12 =	vadd.f32 $1.000000000e+00, v40  }
0x12f: {  	v11 =	vmul.f32 $1.442695020e+00, v11  }
0x130: {  	(erf) = vrcp.f32 v12  }
0x131: {  	(erf) = vpow2.f32 v11;
	_ =	sdelay $0x7  }
0x132: {  	v11 =	vpop (erf)  }
0x133: {  	v41 =	vpop (erf)  }
0x134: {  	v12 =	vadd.f32 $1.000000000e+00, v41;
	_ =	sdelay $0x1  }
0x135: {  	v42 =	vld [tilespmem:$0x8C0];
	(erf) = vrcp.f32 v12  }
0x136: {  	v13 =	vld [tilespmem:$0x4C0];
	_ =	sdelay $0x4  }
0x137: {  	v12 =	vsub.f32 v13, v42;
	_ =	sdelay $0x1  }
0x138: {  	v12 =	vmul.f32 $3.400000100e+00, v12  }
0x139: {  	v43 =	vpop (erf)  }
0x13a: {  	v12 =	vmul.f32 v43, v12;
	_ =	sdelay $0x1  }
0x13b: {  	v12 =	vsub.f32 $0.0e+00, v12;
	_ =	sdelay $0x1  }
0x13c: {  	v12 =	vmul.f32 $1.442695020e+00, v12;
	_ =	sdelay $0x1  }
0x13d: {  	(erf) = vpow2.f32 v12;
	_ =	sdelay $0x3  }
0x13e: {  	v44 =	vld [tilespmem:$0x6D0];
	_ =	sdelay $0x4  }
0x13f: {  	v12 =	vsub.f32 $0.0e+00, v44;
	v45 =	vpop (erf)  }
0x140: {  	v13 =	vadd.f32 $1.000000000e+00, v45  }
0x141: {  	v12 =	vmul.f32 $1.442695020e+00, v12  }
0x142: {  	(erf) = vrcp.f32 v13  }
0x143: {  	(erf) = vpow2.f32 v12;
	_ =	sdelay $0x7  }
0x144: {  	v12 =	vpop (erf)  }
0x145: {  	v46 =	vpop (erf)  }
0x146: {  	v13 =	vadd.f32 $1.000000000e+00, v46;
	_ =	sdelay $0x1  }
0x147: {  	v47 =	vld [tilespmem:$0x8D0];
	(erf) = vrcp.f32 v13  }
0x148: {  	v14 =	vld [tilespmem:$0x4D0];
	_ =	sdelay $0x4  }
0x149: {  	v13 =	vsub.f32 v14, v47;
	_ =	sdelay $0x1  }
0x14a: {  	v13 =	vmul.f32 $3.400000100e+00, v13  }
0x14b: {  	v48 =	vpop (erf)  }
0x14c: {  	v13 =	vmul.f32 v48, v13;
	_ =	sdelay $0x1  }
0x14d: {  	v13 =	vsub.f32 $0.0e+00, v13;
	_ =	sdelay $0x1  }
0x14e: {  	v13 =	vmul.f32 $1.442695020e+00, v13;
	_ =	sdelay $0x1  }
0x14f: {  	(erf) = vpow2.f32 v13;
	_ =	sdelay $0x3  }
0x150: {  	v49 =	vld [tilespmem:$0x6E0];
	_ =	sdelay $0x4  }
0x151: {  	v13 =	vsub.f32 $0.0e+00, v49;
	v50 =	vpop (erf)  }
0x152: {  	v14 =	vadd.f32 $1.000000000e+00, v50  }
0x153: {  	v13 =	vmul.f32 $1.442695020e+00, v13  }
0x154: {  	(erf) = vrcp.f32 v14  }
0x155: {  	(erf) = vpow2.f32 v13;
	_ =	sdelay $0x7  }
0x156: {  	v13 =	vpop (erf)  }
0x157: {  	v51 =	vpop (erf)  }
0x158: {  	v14 =	vadd.f32 $1.000000000e+00, v51;
	_ =	sdelay $0x1  }
0x159: {  	v52 =	vld [tilespmem:$0x8E0];
	(erf) = vrcp.f32 v14  }
0x15a: {  	v15 =	vld [tilespmem:$0x4E0];
	_ =	sdelay $0x4  }
0x15b: {  	v14 =	vsub.f32 v15, v52;
	_ =	sdelay $0x1  }
0x15c: {  	v14 =	vmul.f32 $3.400000100e+00, v14  }
0x15d: {  	v53 =	vpop (erf)  }
0x15e: {  	v14 =	vmul.f32 v53, v14;
	_ =	sdelay $0x1  }
0x15f: {  	v14 =	vsub.f32 $0.0e+00, v14;
	_ =	sdelay $0x1  }
0x160: {  	v14 =	vmul.f32 $1.442695020e+00, v14;
	_ =	sdelay $0x1  }
0x161: {  	(erf) = vpow2.f32 v14;
	_ =	sdelay $0x3  }
0x162: {  	v54 =	vld [tilespmem:$0x6F0];
	_ =	sdelay $0x4  }
0x163: {  	v14 =	vsub.f32 $0.0e+00, v54;
	v55 =	vpop (erf)  }
0x164: {  	v15 =	vadd.f32 $1.000000000e+00, v55  }
0x165: {  	v14 =	vmul.f32 $1.442695020e+00, v14  }
0x166: {  	(erf) = vrcp.f32 v15  }
0x167: {  	(erf) = vpow2.f32 v14;
	_ =	sdelay $0x7  }
0x168: {  	v14 =	vpop (erf)  }
0x169: {  	v56 =	vpop (erf)  }
0x16a: {  	v15 =	vadd.f32 $1.000000000e+00, v56;
	_ =	sdelay $0x1  }
0x16b: {  	v57 =	vld [tilespmem:$0x8F0];
	(erf) = vrcp.f32 v15  }
0x16c: {  	v16 =	vld [tilespmem:$0x4F0];
	_ =	sdelay $0x4  }
0x16d: {  	v15 =	vsub.f32 v16, v57;
	_ =	sdelay $0x1  }
0x16e: {  	v15 =	vmul.f32 $3.400000100e+00, v15  }
0x16f: {  	v58 =	vpop (erf)  }
0x170: {  	v15 =	vmul.f32 v58, v15;
	_ =	sdelay $0x1  }
0x171: {  	v15 =	vsub.f32 $0.0e+00, v15;
	_ =	sdelay $0x1  }
0x172: {  	v15 =	vmul.f32 $1.442695020e+00, v15;
	_ =	sdelay $0x1  }
0x173: {  	(erf) = vpow2.f32 v15;
	_ =	sdelay $0x3  }
0x174: {  	v59 =	vld [tilespmem:$0x700];
	_ =	sdelay $0x4  }
0x175: {  	v15 =	vsub.f32 $0.0e+00, v59;
	v60 =	vpop (erf)  }
0x176: {  	v16 =	vadd.f32 $1.000000000e+00, v60  }
0x177: {  	v15 =	vmul.f32 $1.442695020e+00, v15  }
0x178: {  	(erf) = vrcp.f32 v16  }
0x179: {  	(erf) = vpow2.f32 v15;
	_ =	sdelay $0x7  }
0x17a: {  	v15 =	vpop (erf)  }
0x17b: {  	v61 =	vpop (erf)  }
0x17c: {  	v16 =	vadd.f32 $1.000000000e+00, v61;
	_ =	sdelay $0x1  }
0x17d: {  	v62 =	vld [tilespmem:$0x900];
	(erf) = vrcp.f32 v16  }
0x17e: {  	v17 =	vld [tilespmem:$0x500];
	_ =	sdelay $0x4  }
0x17f: {  	v16 =	vsub.f32 v17, v62;
	_ =	sdelay $0x1  }
0x180: {  	v16 =	vmul.f32 $3.400000100e+00, v16  }
0x181: {  	v63 =	vpop (erf)  }
0x182: {  	v16 =	vmul.f32 v63, v16;
	_ =	sdelay $0x1  }
0x183: {  	v16 =	vsub.f32 $0.0e+00, v16;
	_ =	sdelay $0x1  }
0x184: {  	v16 =	vmul.f32 $1.442695020e+00, v16;
	_ =	sdelay $0x1  }
0x185: {  	(erf) = vpow2.f32 v16;
	_ =	sdelay $0x3  }
0x186: {  	v20 =	vld [tilespmem:$0x710];
	_ =	sdelay $0x4  }
0x187: {  	v16 =	vsub.f32 $0.0e+00, v20;
	v21 =	vpop (erf)  }
0x188: {  	v17 =	vadd.f32 $1.000000000e+00, v21  }
0x189: {  	v16 =	vmul.f32 $1.442695020e+00, v16  }
0x18a: {  	(erf) = vrcp.f32 v17  }
0x18b: {  	(erf) = vpow2.f32 v16;
	_ =	sdelay $0x7  }
0x18c: {  	v16 =	vpop (erf)  }
0x18d: {  	v22 =	vpop (erf)  }
0x18e: {  	v17 =	vadd.f32 $1.000000000e+00, v22;
	_ =	sdelay $0x1  }
0x18f: {  	v18 =	vld [tilespmem:$0x510];
	(erf) = vrcp.f32 v17  }
0x190: {  	v23 =	vld [tilespmem:$0x910];
	_ =	sdelay $0x4  }
0x191: {  	v17 =	vsub.f32 v18, v23;
	_ =	sdelay $0x1  }
0x192: {  	v17 =	vmul.f32 $3.400000100e+00, v17  }
0x193: {  	v24 =	vpop (erf)  }
0x194: {  	v17 =	vmul.f32 v24, v17;
	_ =	sdelay $0x1  }
0x195: {  	v17 =	vsub.f32 $0.0e+00, v17;
	_ =	sdelay $0x1  }
0x196: {  	v17 =	vmul.f32 $1.442695020e+00, v17;
	_ =	sdelay $0x1  }
0x197: {  	(erf) = vpow2.f32 v17;
	_ =	sdelay $0x3  }
0x198: {  	v25 =	vld [tilespmem:$0x720];
	_ =	sdelay $0x4  }
0x199: {  	v17 =	vsub.f32 $0.0e+00, v25;
	v26 =	vpop (erf)  }
0x19a: {  	v18 =	vadd.f32 $1.000000000e+00, v26  }
0x19b: {  	v17 =	vmul.f32 $1.442695020e+00, v17  }
0x19c: {  	(erf) = vrcp.f32 v18  }
0x19d: {  	(erf) = vpow2.f32 v17;
	_ =	sdelay $0x7  }
0x19e: {  	v17 =	vpop (erf)  }
0x19f: {  	v27 =	vpop (erf)  }
0x1a0: {  	v18 =	vadd.f32 $1.000000000e+00, v27;
	_ =	sdelay $0x1  }
0x1a1: {  	v19 =	vld [tilespmem:$0x520];
	(erf) = vrcp.f32 v18  }
0x1a2: {  	v28 =	vld [tilespmem:$0x920];
	_ =	sdelay $0x4  }
0x1a3: {  	v18 =	vsub.f32 v19, v28;
	_ =	sdelay $0x1  }
0x1a4: {  	v18 =	vmul.f32 $3.400000100e+00, v18  }
0x1a5: {  	v29 =	vpop (erf)  }
0x1a6: {  	v18 =	vmul.f32 v29, v18;
	_ =	sdelay $0x1  }
0x1a7: {  	v18 =	vsub.f32 $0.0e+00, v18;
	_ =	sdelay $0x1  }
0x1a8: {  	v18 =	vmul.f32 $1.442695020e+00, v18;
	_ =	sdelay $0x1  }
0x1a9: {  	(erf) = vpow2.f32 v18;
	_ =	sdelay $0x3  }
0x1aa: {  	v30 =	vld [tilespmem:$0x730];
	_ =	sdelay $0x4  }
0x1ab: {  	v18 =	vsub.f32 $0.0e+00, v30;
	v31 =	vpop (erf)  }
0x1ac: {  	v19 =	vadd.f32 $1.000000000e+00, v31  }
0x1ad: {  	v18 =	vmul.f32 $1.442695020e+00, v18  }
0x1ae: {  	(erf) = vrcp.f32 v19  }
0x1af: {  	(erf) = vpow2.f32 v18;
	_ =	sdelay $0x7  }
0x1b0: {  	v18 =	vpop (erf)  }
0x1b1: {  	v32 =	vpop (erf)  }
0x1b2: {  	v19 =	vadd.f32 $1.000000000e+00, v32;
	_ =	sdelay $0x1  }
0x1b3: {  	v33 =	vld [tilespmem:$0x930];
	(erf) = vrcp.f32 v19  }
0x1b4: {  	v20 =	vld [tilespmem:$0x530];
	_ =	sdelay $0x4  }
0x1b5: {  	v19 =	vsub.f32 v20, v33;
	_ =	sdelay $0x1  }
0x1b6: {  	v19 =	vmul.f32 $3.400000100e+00, v19  }
0x1b7: {  	v34 =	vpop (erf)  }
0x1b8: {  	v19 =	vmul.f32 v34, v19;
	_ =	sdelay $0x1  }
0x1b9: {  	v19 =	vsub.f32 $0.0e+00, v19;
	_ =	sdelay $0x1  }
0x1ba: {  	v19 =	vmul.f32 $1.442695020e+00, v19;
	_ =	sdelay $0x1  }
0x1bb: {  	(erf) = vpow2.f32 v19;
	_ =	sdelay $0x3  }
0x1bc: {  	v35 =	vld [tilespmem:$0x740];
	_ =	sdelay $0x4  }
0x1bd: {  	v19 =	vsub.f32 $0.0e+00, v35;
	v36 =	vpop (erf)  }
0x1be: {  	v20 =	vadd.f32 $1.000000000e+00, v36  }
0x1bf: {  	v19 =	vmul.f32 $1.442695020e+00, v19  }
0x1c0: {  	(erf) = vrcp.f32 v20  }
0x1c1: {  	(erf) = vpow2.f32 v19;
	_ =	sdelay $0x7  }
0x1c2: {  	v19 =	vpop (erf)  }
0x1c3: {  	v37 =	vpop (erf)  }
0x1c4: {  	v20 =	vadd.f32 $1.000000000e+00, v37;
	_ =	sdelay $0x1  }
0x1c5: {  	v38 =	vld [tilespmem:$0x940];
	(erf) = vrcp.f32 v20  }
0x1c6: {  	v21 =	vld [tilespmem:$0x540];
	_ =	sdelay $0x4  }
0x1c7: {  	v20 =	vsub.f32 v21, v38;
	_ =	sdelay $0x1  }
0x1c8: {  	v20 =	vmul.f32 $3.400000100e+00, v20  }
0x1c9: {  	v39 =	vpop (erf)  }
0x1ca: {  	v20 =	vmul.f32 v39, v20;
	_ =	sdelay $0x1  }
0x1cb: {  	v20 =	vsub.f32 $0.0e+00, v20;
	_ =	sdelay $0x1  }
0x1cc: {  	v20 =	vmul.f32 $1.442695020e+00, v20;
	_ =	sdelay $0x1  }
0x1cd: {  	(erf) = vpow2.f32 v20;
	_ =	sdelay $0x3  }
0x1ce: {  	v40 =	vld [tilespmem:$0x750];
	_ =	sdelay $0x4  }
0x1cf: {  	v20 =	vsub.f32 $0.0e+00, v40;
	v41 =	vpop (erf)  }
0x1d0: {  	v21 =	vadd.f32 $1.000000000e+00, v41  }
0x1d1: {  	v20 =	vmul.f32 $1.442695020e+00, v20  }
0x1d2: {  	(erf) = vrcp.f32 v21  }
0x1d3: {  	(erf) = vpow2.f32 v20;
	_ =	sdelay $0x7  }
0x1d4: {  	v20 =	vpop (erf)  }
0x1d5: {  	v42 =	vpop (erf)  }
0x1d6: {  	v21 =	vadd.f32 $1.000000000e+00, v42;
	_ =	sdelay $0x1  }
0x1d7: {  	v43 =	vld [tilespmem:$0x950];
	(erf) = vrcp.f32 v21  }
0x1d8: {  	v22 =	vld [tilespmem:$0x550];
	_ =	sdelay $0x4  }
0x1d9: {  	v21 =	vsub.f32 v22, v43;
	_ =	sdelay $0x1  }
0x1da: {  	v21 =	vmul.f32 $3.400000100e+00, v21  }
0x1db: {  	v44 =	vpop (erf)  }
0x1dc: {  	v21 =	vmul.f32 v44, v21;
	_ =	sdelay $0x1  }
0x1dd: {  	v21 =	vsub.f32 $0.0e+00, v21;
	_ =	sdelay $0x1  }
0x1de: {  	v21 =	vmul.f32 $1.442695020e+00, v21;
	_ =	sdelay $0x1  }
0x1df: {  	(erf) = vpow2.f32 v21;
	_ =	sdelay $0x3  }
0x1e0: {  	v45 =	vld [tilespmem:$0x760];
	_ =	sdelay $0x4  }
0x1e1: {  	v21 =	vsub.f32 $0.0e+00, v45;
	v46 =	vpop (erf)  }
0x1e2: {  	v22 =	vadd.f32 $1.000000000e+00, v46  }
0x1e3: {  	v21 =	vmul.f32 $1.442695020e+00, v21  }
0x1e4: {  	(erf) = vrcp.f32 v22  }
0x1e5: {  	(erf) = vpow2.f32 v21;
	_ =	sdelay $0x7  }
0x1e6: {  	v21 =	vpop (erf)  }
0x1e7: {  	v47 =	vpop (erf)  }
0x1e8: {  	v22 =	vadd.f32 $1.000000000e+00, v47;
	_ =	sdelay $0x1  }
0x1e9: {  	v48 =	vld [tilespmem:$0x960];
	(erf) = vrcp.f32 v22  }
0x1ea: {  	v23 =	vld [tilespmem:$0x560];
	_ =	sdelay $0x4  }
0x1eb: {  	v22 =	vsub.f32 v23, v48;
	_ =	sdelay $0x1  }
0x1ec: {  	v22 =	vmul.f32 $3.400000100e+00, v22  }
0x1ed: {  	v49 =	vpop (erf)  }
0x1ee: {  	v22 =	vmul.f32 v49, v22;
	_ =	sdelay $0x1  }
0x1ef: {  	v22 =	vsub.f32 $0.0e+00, v22;
	_ =	sdelay $0x1  }
0x1f0: {  	v22 =	vmul.f32 $1.442695020e+00, v22;
	_ =	sdelay $0x1  }
0x1f1: {  	(erf) = vpow2.f32 v22;
	_ =	sdelay $0x3  }
0x1f2: {  	v50 =	vld [tilespmem:$0x770];
	_ =	sdelay $0x4  }
0x1f3: {  	v22 =	vsub.f32 $0.0e+00, v50;
	v51 =	vpop (erf)  }
0x1f4: {  	v23 =	vadd.f32 $1.000000000e+00, v51  }
0x1f5: {  	v22 =	vmul.f32 $1.442695020e+00, v22  }
0x1f6: {  	(erf) = vrcp.f32 v23  }
0x1f7: {  	(erf) = vpow2.f32 v22;
	_ =	sdelay $0x7  }
0x1f8: {  	v22 =	vpop (erf)  }
0x1f9: {  	v52 =	vpop (erf)  }
0x1fa: {  	v23 =	vadd.f32 $1.000000000e+00, v52;
	_ =	sdelay $0x1  }
0x1fb: {  	v53 =	vld [tilespmem:$0x970];
	(erf) = vrcp.f32 v23  }
0x1fc: {  	v24 =	vld [tilespmem:$0x570];
	_ =	sdelay $0x4  }
0x1fd: {  	v23 =	vsub.f32 v24, v53;
	_ =	sdelay $0x1  }
0x1fe: {  	v23 =	vmul.f32 $3.400000100e+00, v23  }
0x1ff: {  	v54 =	vpop (erf)  }
0x200: {  	v23 =	vmul.f32 v54, v23;
	_ =	sdelay $0x1  }
0x201: {  	v23 =	vsub.f32 $0.0e+00, v23;
	_ =	sdelay $0x1  }
0x202: {  	v23 =	vmul.f32 $1.442695020e+00, v23;
	_ =	sdelay $0x1  }
0x203: {  	(erf) = vpow2.f32 v23;
	_ =	sdelay $0x3  }
0x204: {  	v55 =	vld [tilespmem:$0x780];
	_ =	sdelay $0x4  }
0x205: {  	v23 =	vsub.f32 $0.0e+00, v55;
	v56 =	vpop (erf)  }
0x206: {  	v24 =	vadd.f32 $1.000000000e+00, v56  }
0x207: {  	v23 =	vmul.f32 $1.442695020e+00, v23  }
0x208: {  	(erf) = vrcp.f32 v24  }
0x209: {  	(erf) = vpow2.f32 v23;
	_ =	sdelay $0x7  }
0x20a: {  	v23 =	vpop (erf)  }
0x20b: {  	v57 =	vpop (erf)  }
0x20c: {  	v24 =	vadd.f32 $1.000000000e+00, v57;
	_ =	sdelay $0x1  }
0x20d: {  	v58 =	vld [tilespmem:$0x980];
	(erf) = vrcp.f32 v24  }
0x20e: {  	v25 =	vld [tilespmem:$0x580];
	_ =	sdelay $0x4  }
0x20f: {  	v24 =	vsub.f32 v25, v58;
	_ =	sdelay $0x1  }
0x210: {  	v24 =	vmul.f32 $3.400000100e+00, v24  }
0x211: {  	v59 =	vpop (erf)  }
0x212: {  	v24 =	vmul.f32 v59, v24;
	_ =	sdelay $0x1  }
0x213: {  	v24 =	vsub.f32 $0.0e+00, v24;
	_ =	sdelay $0x1  }
0x214: {  	v24 =	vmul.f32 $1.442695020e+00, v24;
	_ =	sdelay $0x1  }
0x215: {  	(erf) = vpow2.f32 v24;
	_ =	sdelay $0x3  }
0x216: {  	v60 =	vld [tilespmem:$0x790];
	_ =	sdelay $0x4  }
0x217: {  	v24 =	vsub.f32 $0.0e+00, v60;
	v61 =	vpop (erf)  }
0x218: {  	v25 =	vadd.f32 $1.000000000e+00, v61  }
0x219: {  	v24 =	vmul.f32 $1.442695020e+00, v24  }
0x21a: {  	(erf) = vrcp.f32 v25  }
0x21b: {  	(erf) = vpow2.f32 v24;
	_ =	sdelay $0x7  }
0x21c: {  	v24 =	vpop (erf)  }
0x21d: {  	v62 =	vpop (erf)  }
0x21e: {  	v25 =	vadd.f32 $1.000000000e+00, v62;
	_ =	sdelay $0x1  }
0x21f: {  	v63 =	vld [tilespmem:$0x990];
	(erf) = vrcp.f32 v25  }
0x220: {  	v26 =	vld [tilespmem:$0x590];
	_ =	sdelay $0x4  }
0x221: {  	v25 =	vsub.f32 v26, v63;
	_ =	sdelay $0x1  }
0x222: {  	v25 =	vmul.f32 $3.400000100e+00, v25  }
0x223: {  	v28 =	vpop (erf)  }
0x224: {  	v25 =	vmul.f32 v28, v25;
	_ =	sdelay $0x1  }
0x225: {  	v25 =	vsub.f32 $0.0e+00, v25;
	_ =	sdelay $0x1  }
0x226: {  	v25 =	vmul.f32 $1.442695020e+00, v25;
	_ =	sdelay $0x1  }
0x227: {  	(erf) = vpow2.f32 v25;
	_ =	sdelay $0x3  }
0x228: {  	v29 =	vld [tilespmem:$0x7A0];
	_ =	sdelay $0x4  }
0x229: {  	v25 =	vsub.f32 $0.0e+00, v29;
	v30 =	vpop (erf)  }
0x22a: {  	v26 =	vadd.f32 $1.000000000e+00, v30  }
0x22b: {  	v25 =	vmul.f32 $1.442695020e+00, v25  }
0x22c: {  	(erf) = vrcp.f32 v26  }
0x22d: {  	(erf) = vpow2.f32 v25;
	_ =	sdelay $0x7  }
0x22e: {  	v25 =	vpop (erf)  }
0x22f: {  	v31 =	vpop (erf)  }
0x230: {  	v26 =	vadd.f32 $1.000000000e+00, v31;
	_ =	sdelay $0x1  }
0x231: {  	v27 =	vld [tilespmem:$0x5A0];
	(erf) = vrcp.f32 v26  }
0x232: {  	v32 =	vld [tilespmem:$0x9A0];
	_ =	sdelay $0x4  }
0x233: {  	v26 =	vsub.f32 v27, v32;
	_ =	sdelay $0x1  }
0x234: {  	v26 =	vmul.f32 $3.400000100e+00, v26  }
0x235: {  	v33 =	vpop (erf)  }
0x236: {  	v26 =	vmul.f32 v33, v26;
	_ =	sdelay $0x1  }
0x237: {  	v26 =	vsub.f32 $0.0e+00, v26;
	_ =	sdelay $0x1  }
0x238: {  	v26 =	vmul.f32 $1.442695020e+00, v26;
	_ =	sdelay $0x1  }
0x239: {  	(erf) = vpow2.f32 v26;
	_ =	sdelay $0x3  }
0x23a: {  	v34 =	vld [tilespmem:$0x7B0];
	_ =	sdelay $0x4  }
0x23b: {  	v26 =	vsub.f32 $0.0e+00, v34;
	v35 =	vpop (erf)  }
0x23c: {  	v27 =	vadd.f32 $1.000000000e+00, v35  }
0x23d: {  	v26 =	vmul.f32 $1.442695020e+00, v26  }
0x23e: {  	(erf) = vrcp.f32 v27  }
0x23f: {  	(erf) = vpow2.f32 v26;
	_ =	sdelay $0x7  }
0x240: {  	v26 =	vpop (erf)  }
0x241: {  	v36 =	vpop (erf)  }
0x242: {  	v27 =	vadd.f32 $1.000000000e+00, v36;
	_ =	sdelay $0x1  }
0x243: {  	v37 =	vld [tilespmem:$0x9B0];
	(erf) = vrcp.f32 v27  }
0x244: {  	v28 =	vld [tilespmem:$0x5B0];
	_ =	sdelay $0x4  }
0x245: {  	v27 =	vsub.f32 v28, v37;
	_ =	sdelay $0x1  }
0x246: {  	v27 =	vmul.f32 $3.400000100e+00, v27  }
0x247: {  	v38 =	vpop (erf)  }
0x248: {  	v27 =	vmul.f32 v38, v27;
	_ =	sdelay $0x1  }
0x249: {  	v27 =	vsub.f32 $0.0e+00, v27;
	_ =	sdelay $0x1  }
0x24a: {  	v27 =	vmul.f32 $1.442695020e+00, v27;
	_ =	sdelay $0x1  }
0x24b: {  	(erf) = vpow2.f32 v27;
	_ =	sdelay $0x3  }
0x24c: {  	v39 =	vld [tilespmem:$0x7C0];
	_ =	sdelay $0x4  }
0x24d: {  	v27 =	vsub.f32 $0.0e+00, v39;
	v40 =	vpop (erf)  }
0x24e: {  	v28 =	vadd.f32 $1.000000000e+00, v40  }
0x24f: {  	v27 =	vmul.f32 $1.442695020e+00, v27  }
0x250: {  	(erf) = vrcp.f32 v28  }
0x251: {  	(erf) = vpow2.f32 v27;
	_ =	sdelay $0x7  }
0x252: {  	v41 =	vpop (erf)  }
0x253: {  	v42 =	vpop (erf)  }
0x254: {  	v28 =	vadd.f32 $1.000000000e+00, v42;
	_ =	sdelay $0x1  }
0x255: {  	v43 =	vld [tilespmem:$0x9C0];
	(erf) = vrcp.f32 v28  }
0x256: {  	v29 =	vld [tilespmem:$0x5C0];
	_ =	sdelay $0x4  }
0x257: {  	v28 =	vsub.f32 v29, v43;
	_ =	sdelay $0x1  }
0x258: {  	v28 =	vmul.f32 $3.400000100e+00, v28  }
0x259: {  	v44 =	vpop (erf)  }
0x25a: {  	v28 =	vmul.f32 v44, v28;
	_ =	sdelay $0x1  }
0x25b: {  	v28 =	vsub.f32 $0.0e+00, v28;
	_ =	sdelay $0x1  }
0x25c: {  	v28 =	vmul.f32 $1.442695020e+00, v28;
	_ =	sdelay $0x1  }
0x25d: {  	(erf) = vpow2.f32 v28;
	_ =	sdelay $0x3  }
0x25e: {  	v45 =	vld [tilespmem:$0x7D0];
	_ =	sdelay $0x4  }
0x25f: {  	v28 =	vsub.f32 $0.0e+00, v45;
	v46 =	vpop (erf)  }
0x260: {  	v29 =	vadd.f32 $1.000000000e+00, v46  }
0x261: {  	v28 =	vmul.f32 $1.442695020e+00, v28  }
0x262: {  	(erf) = vrcp.f32 v29  }
0x263: {  	(erf) = vpow2.f32 v28;
	_ =	sdelay $0x7  }
0x264: {  	v47 =	vpop (erf)  }
0x265: {  	v48 =	vpop (erf)  }
0x266: {  	v29 =	vadd.f32 $1.000000000e+00, v48;
	_ =	sdelay $0x1  }
0x267: {  	v49 =	vld [tilespmem:$0x9D0];
	(erf) = vrcp.f32 v29  }
0x268: {  	v30 =	vld [tilespmem:$0x5D0];
	_ =	sdelay $0x4  }
0x269: {  	v29 =	vsub.f32 v30, v49;
	_ =	sdelay $0x1  }
0x26a: {  	v29 =	vmul.f32 $3.400000100e+00, v29  }
0x26b: {  	v50 =	vpop (erf)  }
0x26c: {  	v29 =	vmul.f32 v50, v29;
	_ =	sdelay $0x1  }
0x26d: {  	v29 =	vsub.f32 $0.0e+00, v29;
	_ =	sdelay $0x1  }
0x26e: {  	v29 =	vmul.f32 $1.442695020e+00, v29;
	_ =	sdelay $0x1  }
0x26f: {  	(erf) = vpow2.f32 v29;
	_ =	sdelay $0x3  }
0x270: {  	v51 =	vld [tilespmem:$0x7E0];
	_ =	sdelay $0x4  }
0x271: {  	v29 =	vsub.f32 $0.0e+00, v51;
	v52 =	vpop (erf)  }
0x272: {  	v30 =	vadd.f32 $1.000000000e+00, v52  }
0x273: {  	v29 =	vmul.f32 $1.442695020e+00, v29  }
0x274: {  	(erf) = vrcp.f32 v30  }
0x275: {  	(erf) = vpow2.f32 v29;
	_ =	sdelay $0x7  }
0x276: {  	v53 =	vpop (erf)  }
0x277: {  	v54 =	vpop (erf)  }
0x278: {  	v30 =	vadd.f32 $1.000000000e+00, v54;
	_ =	sdelay $0x1  }
0x279: {  	v55 =	vld [tilespmem:$0x9E0];
	(erf) = vrcp.f32 v30  }
0x27a: {  	v31 =	vld [tilespmem:$0x5E0];
	_ =	sdelay $0x4  }
0x27b: {  	v30 =	vsub.f32 v31, v55;
	_ =	sdelay $0x1  }
0x27c: {  	v30 =	vmul.f32 $3.400000100e+00, v30  }
0x27d: {  	v56 =	vpop (erf)  }
0x27e: {  	v30 =	vmul.f32 v56, v30;
	_ =	sdelay $0x1  }
0x27f: {  	v30 =	vsub.f32 $0.0e+00, v30;
	_ =	sdelay $0x1  }
0x280: {  	v30 =	vmul.f32 $1.442695020e+00, v30;
	_ =	sdelay $0x1  }
0x281: {  	(erf) = vpow2.f32 v30;
	_ =	sdelay $0x3  }
0x282: {  	v57 =	vld [tilespmem:$0x7F0];
	_ =	sdelay $0x4  }
0x283: {  	v30 =	vsub.f32 $0.0e+00, v57;
	v58 =	vpop (erf)  }
0x284: {  	v31 =	vadd.f32 $1.000000000e+00, v58  }
0x285: {  	v30 =	vmul.f32 $1.442695020e+00, v30  }
0x286: {  	(erf) = vrcp.f32 v31  }
0x287: {  	(erf) = vpow2.f32 v30;
	_ =	sdelay $0x7  }
0x288: {  	v59 =	vpop (erf)  }
0x289: {  	v60 =	vpop (erf)  }
0x28a: {  	v31 =	vadd.f32 $1.000000000e+00, v60;
	_ =	sdelay $0x1  }
0x28b: {  	v61 =	vld [tilespmem:$0x9F0];
	(erf) = vrcp.f32 v31  }
0x28c: {  	v32 =	vld [tilespmem:$0x5F0];
	_ =	sdelay $0x4  }
0x28d: {  	v31 =	vsub.f32 v32, v61  }
0x28e: {  	[tilespmem:$0xA00] =	vst v0  }
0x28f: {  	[tilespmem:$0xA10] =	vst v1;
	v62 =	vmul.f32 $3.400000100e+00, v31  }
0x290: {  	[tilespmem:$0xA20] =	vst v2;
	v63 =	vpop (erf)  }
0x291: {  	[tilespmem:$0xA30] =	vst v3;
	v0 =	vmul.f32 v63, v62  }
0x292: {  	[tilespmem:$0xA40] =	vst v4  }
0x293: {  	[tilespmem:$0xA50] =	vst v5;
	v0 =	vsub.f32 $0.0e+00, v0  }
0x294: {  	[tilespmem:$0xA60] =	vst v6  }
0x295: {  	[tilespmem:$0xA70] =	vst v7;
	v0 =	vmul.f32 $1.442695020e+00, v0  }
0x296: {  	[tilespmem:$0xA80] =	vst v8  }
0x297: {  	[tilespmem:$0xA90] =	vst v9;
	(erf) = vpow2.f32 v0  }
0x298: {  	[tilespmem:$0xAA0] =	vst v10  }
0x299: {  	[tilespmem:$0xAB0] =	vst v11  }
0x29a: {  	[tilespmem:$0xAC0] =	vst v12  }
0x29b: {  	[tilespmem:$0xAD0] =	vst v13  }
0x29c: {  	[tilespmem:$0xAE0] =	vst v14  }
0x29d: {  	[tilespmem:$0xAF0] =	vst v15  }
0x29e: {  	[tilespmem:$0xB00] =	vst v16  }
0x29f: {  	[tilespmem:$0xB10] =	vst v17  }
0x2a0: {  	[tilespmem:$0xB20] =	vst v18;
	v0 =	vpop (erf)  }
0x2a1: {  	[tilespmem:$0xB30] =	vst v19;
	v0 =	vadd.f32 $1.000000000e+00, v0  }
0x2a2: {  	[tilespmem:$0xB40] =	vst v20  }
0x2a3: {  	[tilespmem:$0xB50] =	vst v21;
	(erf) = vrcp.f32 v0  }
0x2a4: {  	[tilespmem:$0xB60] =	vst v22  }
0x2a5: {  	[tilespmem:$0xB70] =	vst v23  }
0x2a6: {  	[tilespmem:$0xB80] =	vst v24  }
0x2a7: {  	[tilespmem:$0xB90] =	vst v25  }
0x2a8: {  	[tilespmem:$0xBA0] =	vst v26  }
0x2a9: {  	[tilespmem:$0xBB0] =	vst v41  }
0x2aa: {  	[tilespmem:$0xBC0] =	vst v47  }
0x2ab: {  	[tilespmem:$0xBD0] =	vst v53  }
0x2ac: {  	p0 =	sne.s32 s8, $0x1;
	[tilespmem:$0xBE0] =	vst v59;
	v0 =	vpop (erf)  }
.Ltmp0:
0x2ad: {  	[tilespmem:$0xBF0] =	vst v0;
	(pc) =	sbr.rel @p0 .LBB2_1-.Ltmp0, $4  }
0x2ae: {  	[hbm4b:s7+s3] =	stream.linear.scatter [tilespmem:s31], [sflag:$0x3], $0x200, $0x38;
	[tilespmem:$0xC00] =	vst v63  }
0x2af: {  	_ =	swait.ge [sflag:s0], $0x200  }
0x2b0: {  	[sflag:s0] =	ssyncset.done $0x0  }
0x2b1: {  	s8 =	sadd.s32 $0xFFFFFFFF, s8;
	[sflag:s0] =	ssyncadd.s32 $0xFFFFFE00  }
0x2b2: {  	_ =	sfence.sel $0x180000  }
0x2b3: {  	[bflag:$0x0] =	sbarrier.arrive $0xFFFF  }
0x2b4: {  	_ =	strace $0x90000047  }
0x2b5: {  	s0 =	stileid.u32;
	[bflag:$0x2] =	sbarrier.arrive $0xFFFF  }
0x2b6: {  	p0 =	sne.s32 s0, $0x0;
	s0 =	rddreg [dreg:$0x4]  }
0x2b7: {  	s0 =	sadd.s32 @!p0 $0x100000, s0  }
0x2b8: {  	[sflag:s0] =	ssyncadd.tile.s32 @!p0 $0x1;
	_ =	shalt  }
.Lfunc_end2:
_tile_overlayer_lowered:
.L_overlay_start_2:
0x2b9: {  	(tag) =	ssettag $0x2  }
0x2ba: {  	s0 =	rddreg [dreg:$0x0];
	s2 =	stileid.u32  }
0x2bb: {  	s1 =	rddreg [dreg:$0x1];
	p0 =	sne.s32 s2, $0x0  }
0x2bc: {  	s3 =	rddreg [dreg:$0x2];
	[bflag:$0x3] =	sbarrier.arrive $0xFFFF;
	s2 =	simm.s32 @!p0 $0x1C04  }
0x2bd: {  	[timem:s3], [sflag:s2] =	dma.local @!p0 [hbm:s0], s1  }
0x2be: {  	s0 =	simm.s32 @!p0 $0x4  }
0x2bf: {  	_ =	swait.ge @!p0 [sflag:s0], s1  }
0x2c0: {  	s1 =	ssub.s32 @!p0 $0x0, s1;
	[sflag:s0] =	ssyncset.done @!p0 $0x0  }
0x2c1: {  	[sflag:s0] =	ssyncadd.s32 @!p0 s1  }
0x2c2: {  	[bflag:$0x3] =	sbarrier.arrive $0xFFFF  }
0x2c3: {  	_ =	shalt  }

</sc_bundles>
